<compile_context>
chip_gen: v7x
topology: tpu7x:2x2x1
jax: 0.10.2.dev20260603
libtpu: 0.0.44.dev20260713+nightly
codegen_flags: <defaults>
</compile_context>

<pallas_src>
import jax
import jax.numpy as jnp
from jax import lax
from jax.experimental import pallas as pl
from jax.experimental.pallas import tpu as pltpu
from jax.experimental.pallas import tpu_sc as plsc

N = 50000
E = 800000
D_IN = 128
H = 32
HEADS = 4
HH = HEADS * H
G = 1024
R = 5

ROW_TILE = 2000
N_TILES = N // ROW_TILE


def _ln(y, g, b, eps=1e-5):
    m = jnp.mean(y, axis=-1, keepdims=True)
    v = jnp.mean((y - m) ** 2, axis=-1, keepdims=True)
    return (y - m) / jnp.sqrt(v + eps) * g + b



def _tc1_body(x_ref, w0, b0, g0, be0, w1, b1, g1, be1,
              wq, bq, wk, bk, wv, bv, ws, bs,
              q_ref, k_ref, v_ref, s_ref):
    h = jax.nn.relu(_ln(x_ref[...] @ w0[...] + b0[...], g0[...], be0[...]))
    h = jax.nn.relu(_ln(h @ w1[...] + b1[...], g1[...], be1[...]))
    q_ref[...] = h @ wq[...] + bq[...]
    k_ref[...] = h @ wk[...] + bk[...]
    v_ref[...] = h @ wv[...] + bv[...]
    s_ref[...] = h @ ws[...] + bs[...]


def _tc1(x, p):
    row = pl.BlockSpec((ROW_TILE, D_IN), lambda i: (i, 0))
    full = pl.BlockSpec(lambda i: tuple(0 for _ in range(1)))
    outs = [jax.ShapeDtypeStruct((N, HH), jnp.float32)] * 4
    t0 = p["t0"]
    def spec(a):
        return pl.BlockSpec(a.shape, lambda i: tuple(0 for _ in a.shape))
    args = [p["in0"]["W"], p["in0"]["b"], p["in0"]["g"], p["in0"]["beta"],
            p["in1"]["W"], p["in1"]["b"], p["in1"]["g"], p["in1"]["beta"],
            t0["q"]["W"], t0["q"]["b"], t0["k"]["W"], t0["k"]["b"],
            t0["v"]["W"], t0["v"]["b"], t0["skip"]["W"], t0["skip"]["b"]]
    return pl.pallas_call(
        _tc1_body,
        grid=(N_TILES,),
        in_specs=[row] + [spec(a) for a in args],
        out_specs=[pl.BlockSpec((ROW_TILE, HH), lambda i: (i, 0))] * 4,
        out_shape=outs,
    )(x, *args)



def _tc2_body(c_ref, s0_ref, wq, bq, wk, bk, wv, bv, ws, bs,
              q_ref, k_ref, v_ref, s_ref):
    x1 = c_ref[...] + s0_ref[...]
    q_ref[...] = x1 @ wq[...] + bq[...]
    k_ref[...] = x1 @ wk[...] + bk[...]
    v_ref[...] = x1 @ wv[...] + bv[...]
    s_ref[...] = x1 @ ws[...] + bs[...]


def _tc2(conv0, s0, p):
    t1 = p["t1"]
    def spec(a):
        return pl.BlockSpec(a.shape, lambda i: tuple(0 for _ in a.shape))
    args = [t1["q"]["W"], t1["q"]["b"], t1["k"]["W"], t1["k"]["b"],
            t1["v"]["W"], t1["v"]["b"], t1["skip"]["W"], t1["skip"]["b"]]
    row = pl.BlockSpec((ROW_TILE, HH), lambda i: (i, 0))
    outs = [jax.ShapeDtypeStruct((N, HH), jnp.float32)] * 4
    return pl.pallas_call(
        _tc2_body,
        grid=(N_TILES,),
        in_specs=[row, row] + [spec(a) for a in args],
        out_specs=[pl.BlockSpec((ROW_TILE, HH), lambda i: (i, 0))] * 4,
        out_shape=outs,
    )(conv0, s0, *args)



def _tc3_body(s_ref, cnt_ref, mn_ref, mx_ref, sq_ref,
              w0, b0, g0, be0, w1, b1, g1, be1, w2, b2, o_ref):
    s = s_ref[...]
    cnt = cnt_ref[...]
    safe = jnp.maximum(cnt, 1.0)
    mean = s / safe
    has = cnt > 0
    mn = jnp.where(has, mn_ref[...], 0.0)
    mx = jnp.where(has, mx_ref[...], 0.0)
    mean2 = sq_ref[...] / safe
    var = mean2 - mean * mean
    std = jnp.sqrt(jnp.clip(var, 1e-5))
    g = jnp.concatenate([s, mean, mn, mx, std], axis=-1)
    g = jax.nn.relu(_ln(g @ w0[...] + b0[...], g0[...], be0[...]))
    g = jax.nn.relu(_ln(g @ w1[...] + b1[...], g1[...], be1[...]))
    o_ref[...] = g @ w2[...] + b2[...]


def _tc3(ssum, cnt, mn, mx, sq, p):
    def spec(a):
        return pl.BlockSpec(a.shape, lambda: tuple(0 for _ in a.shape))
    args = [p["r0"]["W"], p["r0"]["b"], p["r0"]["g"], p["r0"]["beta"],
            p["r1"]["W"], p["r1"]["b"], p["r1"]["g"], p["r1"]["beta"],
            p["r2"]["W"], p["r2"]["b"]]
    cnt2 = cnt.reshape(G, 1)
    ins = [ssum, cnt2, mn, mx, sq] + args
    return pl.pallas_call(
        _tc3_body,
        in_specs=[spec(a) for a in ins],
        out_specs=pl.BlockSpec((G, R), lambda: (0, 0)),
        out_shape=jax.ShapeDtypeStruct((G, R), jnp.float32),
    )(*ins)



EC = 128
NCHUNK = E // EC
NWORK = 32
CHUNKS_PER_W = (NCHUNK + NWORK - 1) // NWORK
_SC_MESH = dict(core_axis_name="c", subcore_axis_name="s",
                num_cores=2, num_subcores=16)
_SC_PARAMS = pltpu.CompilerParams(needs_layout_passes=False)
_INV_SQRT_H = 1.0 / (float(H) ** 0.5)


def _sc_alpha_body(q_hbm, k_hbm, src_hbm, dst_hbm, alpha_hbm, wmax_hbm,
                   sidx, didx, qrows, krows, arows, mbuf, sem):
    cc_ = lax.axis_index("c")
    ss_ = lax.axis_index("s")
    w = ss_ * 2 + cc_
    iota = lax.iota(jnp.int32, 16)
    neg = jnp.full((16,), -1e30, jnp.float32)

    def chunk_body(i, carry):
        cid = w + NWORK * i
        if True:
            m0, m1, m2, m3 = carry
            off = cid * EC
            pltpu.sync_copy(src_hbm.at[pl.ds(off, EC)], sidx)
            pltpu.sync_copy(dst_hbm.at[pl.ds(off, EC)], didx)
            cp1 = pltpu.async_copy(q_hbm.at[didx], qrows, sem)
            cp2 = pltpu.async_copy(k_hbm.at[sidx], krows, sem)
            cp1.wait()
            cp2.wait()

            def gh_body(t, carry2):
                m0, m1, m2, m3 = carry2
                g = t // HEADS
                h = t % HEADS
                row = g * 16 + iota
                colbase = jnp.broadcast_to(h * H, (16,)).astype(jnp.int32)
                acc = jnp.zeros((16,), jnp.float32)
                for c in range(H):
                    col = colbase + c
                    qv = plsc.load_gather(qrows, [row, col])
                    kv = plsc.load_gather(krows, [row, col])
                    acc = acc + qv * kv
                acc = acc * _INV_SQRT_H
                plsc.store_scatter(arows, [row * HEADS +
                                           jnp.broadcast_to(h, (16,))], acc)
                m0 = jnp.where(h == 0, jnp.maximum(m0, acc), m0)
                m1 = jnp.where(h == 1, jnp.maximum(m1, acc), m1)
                m2 = jnp.where(h == 2, jnp.maximum(m2, acc), m2)
                m3 = jnp.where(h == 3, jnp.maximum(m3, acc), m3)
                return (m0, m1, m2, m3)

            carry = lax.fori_loop(0, (EC // 16) * HEADS, gh_body,
                                  (m0, m1, m2, m3))
            pltpu.sync_copy(arows,
                            alpha_hbm.at[pl.ds(off * HEADS, EC * HEADS)])
            return carry

    n_i = (NCHUNK // NWORK) + jnp.where(w < (NCHUNK % NWORK), 1, 0)
    m = lax.fori_loop(0, n_i, chunk_body, (neg, neg, neg, neg))
    mbuf[0] = m[0]
    mbuf[1] = m[1]
    mbuf[2] = m[2]
    mbuf[3] = m[3]
    pltpu.sync_copy(mbuf, wmax_hbm.at[w])


@jax.jit
def _sc_alpha(q, k, src, dst):
    return pl.kernel(
        _sc_alpha_body,
        out_type=[jax.ShapeDtypeStruct((E * HEADS,), jnp.float32),
                  jax.ShapeDtypeStruct((NWORK, HEADS, 16), jnp.float32)],
        mesh=plsc.VectorSubcoreMesh(**_SC_MESH),
        compiler_params=_SC_PARAMS,
        scratch_types=[
            pltpu.VMEM((EC,), jnp.int32),
            pltpu.VMEM((EC,), jnp.int32),
            pltpu.VMEM((EC, HH), jnp.float32),
            pltpu.VMEM((EC, HH), jnp.float32),
            pltpu.VMEM((EC * HEADS,), jnp.float32),
            pltpu.VMEM((HEADS, 16), jnp.float32),
            pltpu.SemaphoreType.DMA,
        ],
    )(q, k, src, dst)



CHT = 400
CHT_ROWS = CHT + 8
NCH_T = N // CHT
_CT_BASE = NCH_T // NWORK
_CT_EXTRA = NCH_T % NWORK
FB = 128
_FIRE_AT = FB - 16
EC_S = 640
NCH_S = E // EC_S


def _sc_msg_body(v_hbm, src_hbm, dst_hbm, alpha_hbm, gmax_hbm, conv_hbm,
                 dbufA, sbufA, abufA, dbufB, sbufB, abufB,
                 vbuf, cab, csrc, cdst, gbuf, cnt_s,
                 aggT, denT, sem, semA, semB):
    cc_ = lax.axis_index("c")
    ss_ = lax.axis_index("s")
    w = ss_ * 2 + cc_
    iota = lax.iota(jnp.int32, 16)
    lane4 = jnp.bitwise_and(iota, 3)
    zf = jnp.zeros((16,), jnp.float32)
    pltpu.sync_copy(gmax_hbm, gbuf)
    gm4 = gbuf[...]

    def reset_cdst():
        dump = jnp.full((16,), CHT, jnp.int32)
        for u in range(FB // 16):
            cdst[pl.ds(u * 16, 16)] = dump

    zi = jnp.zeros((16,), jnp.int32)
    for u in range(FB // 16):
        csrc[pl.ds(u * 16, 16)] = zi

    def fire():
        pltpu.async_copy(v_hbm.at[csrc], vbuf, sem).wait()

        def frow(j, carry2):
            jj = jnp.broadcast_to(j, (16,)).astype(jnp.int32)
            loc = plsc.load_gather(cdst, [jj])
            ar = plsc.load_gather(cab, [jj * HEADS + lane4])
            exrow = jnp.exp(ar - gm4)
            plsc.addupdate_scatter(denT, [loc * 16 + iota], exrow)
            for h in range(HEADS):
                eh = jnp.take(exrow, jnp.broadcast_to(h, (16,)))
                for half in range(2):
                    col = h * 32 + 16 * half + iota
                    x = vbuf[j, pl.ds(h * 32 + 16 * half, 16)] * eh
                    plsc.addupdate_scatter(aggT, [loc, col], x)
            return carry2

        lax.fori_loop(0, FB, frow, 0)
        reset_cdst()
        cnt_s[0] = 0

    nch = _CT_BASE + jnp.where(w < _CT_EXTRA, 1, 0)

    def chunk(ci, carry):
        chunk_id = w + NWORK * ci
        base = chunk_id * CHT

        def zrow(r, c2):
            for cg in range(HH // 16):
                aggT[r, pl.ds(cg * 16, 16)] = zf
            rr = jnp.broadcast_to(r, (16,)).astype(jnp.int32)
            plsc.store_scatter(denT, [rr * 16 + iota], zf)
            return c2

        lax.fori_loop(0, CHT_ROWS, zrow, 0)
        reset_cdst()
        cnt_s[0] = 0

        def issue(i, db, sb, ab, sem_p):
            off = i * EC_S
            pltpu.async_copy(dst_hbm.at[pl.ds(off, EC_S)], db, sem_p)
            pltpu.async_copy(src_hbm.at[pl.ds(off, EC_S)], sb, sem_p)
            pltpu.async_copy(
                alpha_hbm.at[pl.ds(off * HEADS, EC_S * HEADS)], ab, sem_p)

        def drain(db, sb, ab, sem_p):
            pltpu.make_async_copy(dst_hbm.at[pl.ds(0, EC_S)], db, sem_p).wait()
            pltpu.make_async_copy(src_hbm.at[pl.ds(0, EC_S)], sb, sem_p).wait()
            pltpu.make_async_copy(alpha_hbm.at[pl.ds(0, EC_S * HEADS)], ab,
                                  sem_p).wait()

        def process(db, sb, ab):
            def pgroup(g, cg2):
                dv = db[pl.ds(g * 16, 16)]
                lof = dv - base
                m = jnp.logical_and(lof >= 0, lof < CHT)

                @pl.when(jnp.any(m))
                def _():
                    cntv = cnt_s[0]
                    rank = plsc.cumsum(m.astype(jnp.int32))
                    pos = jnp.broadcast_to(cntv, (16,)) + rank - 1
                    plsc.store_scatter(csrc, [pos], sb[pl.ds(g * 16, 16)],
                                       mask=m)
                    plsc.store_scatter(cdst, [pos], lof, mask=m)
                    grow = g * 16 + iota
                    for h in range(HEADS):
                        hh16 = jnp.broadcast_to(h, (16,)).astype(jnp.int32)
                        avh = plsc.load_gather(ab, [grow * HEADS + hh16])
                        plsc.store_scatter(cab, [pos * HEADS + hh16], avh,
                                           mask=m)
                    npos = plsc.all_reduce_population_count(m)
                    cnt_s[0] = cntv + jnp.max(npos)

                @pl.when(cnt_s[0] >= _FIRE_AT)
                def _():
                    fire()
                return cg2

            lax.fori_loop(0, EC_S // 16, pgroup, 0)

        issue(0, dbufA, sbufA, abufA, semA)

        def spair(j, c2):
            bufs = ((dbufA, sbufA, abufA, semA), (dbufB, sbufB, abufB, semB))
            for par in range(2):
                i = 2 * j + par
                db, sb, ab, sem_p = bufs[par]
                ndb, nsb, nab, nsem = bufs[1 - par]
                drain(db, sb, ab, sem_p)

                @pl.when(i + 1 < NCH_S)
                def _():
                    issue(i + 1, ndb, nsb, nab, nsem)

                process(db, sb, ab)
            return c2

        lax.fori_loop(0, NCH_S // 2, spair, 0)
        fire()

        def wrow(j, c2):
            jj = jnp.broadcast_to(j, (16,)).astype(jnp.int32)
            den = plsc.load_gather(denT, [jj * 16 + iota])
            rec = 1.0 / (den + 1e-16)
            for h in range(HEADS):
                rh = jnp.take(rec, jnp.broadcast_to(h, (16,)))
                for half in range(2):
                    sl = pl.ds(h * 32 + 16 * half, 16)
                    aggT[j, sl] = aggT[j, sl] * rh
            return c2

        lax.fori_loop(0, CHT, wrow, 0)
        pltpu.sync_copy(aggT.at[pl.ds(0, CHT)], conv_hbm.at[pl.ds(base, CHT)])
        return carry

    lax.fori_loop(0, nch, chunk, 0)


@jax.jit
def _sc_msg(v, src, dst, alpha, gmax16):
    return pl.kernel(
        _sc_msg_body,
        out_type=jax.ShapeDtypeStruct((N, HH), jnp.float32),
        mesh=plsc.VectorSubcoreMesh(**_SC_MESH),
        compiler_params=_SC_PARAMS,
        scratch_types=[
            pltpu.VMEM((EC_S,), jnp.int32),
            pltpu.VMEM((EC_S,), jnp.int32),
            pltpu.VMEM((EC_S * HEADS,), jnp.float32),
            pltpu.VMEM((EC_S,), jnp.int32),
            pltpu.VMEM((EC_S,), jnp.int32),
            pltpu.VMEM((EC_S * HEADS,), jnp.float32),
            pltpu.VMEM((FB, HH), jnp.float32),
            pltpu.VMEM((FB * HEADS,), jnp.float32),
            pltpu.VMEM((FB,), jnp.int32),
            pltpu.VMEM((FB,), jnp.int32),
            pltpu.VMEM((16,), jnp.float32),
            pltpu.SMEM((1,), jnp.int32),
            pltpu.VMEM((CHT_ROWS, HH), jnp.float32),
            pltpu.VMEM((CHT_ROWS * 16,), jnp.float32),
            pltpu.SemaphoreType.DMA,
            pltpu.SemaphoreType.DMA,
            pltpu.SemaphoreType.DMA,
        ],
    )(v, src, dst, alpha, gmax16)


def _edge_phase(q, k, v, src, dst):
    alpha, wmax = _sc_alpha(q, k, src, dst)
    gmax16 = jnp.tile(jnp.max(wmax, axis=(0, 2)), HEADS)
    return _sc_msg(v, src, dst, alpha, gmax16)


def _pool(xfin, batch):
    s = jax.ops.segment_sum(xfin, batch, num_segments=G)
    cnt = jax.ops.segment_sum(jnp.ones((N,), jnp.float32), batch, num_segments=G)
    mn = jax.ops.segment_min(xfin, batch, num_segments=G)
    mx = jax.ops.segment_max(xfin, batch, num_segments=G)
    mn = jnp.where(jnp.isfinite(mn), mn, 0.0)
    mx = jnp.where(jnp.isfinite(mx), mx, 0.0)
    sq = jax.ops.segment_sum(xfin * xfin, batch, num_segments=G)
    return s, cnt, mn, mx, sq



def kernel(x, batch, edge_index, params):
    src, dst = edge_index[0], edge_index[1]
    q0, k0, v0, s0 = _tc1(x, params)
    conv0 = _edge_phase(q0, k0, v0, src, dst)[:N]
    q1, k1, v1, s1 = _tc2(conv0, s0, params)
    conv1 = _edge_phase(q1, k1, v1, src, dst)[:N]
    xfin = conv1 + s1
    ssum, cnt, mn, mx, sq = _pool(xfin, batch)
    return _tc3(ssum, cnt, mn, mx, sq, params)

# --- scband reference (transcript-rebuilt; emitter-appended) ---
"""Pipeline reference for scband-regression-transformer-py-g-11845519802382 (READ-ONLY COPY).

The authoritative reference and input builder live on the scoring server;
editing this copy changes nothing except your own understanding.
"""

import jax, jax.numpy as jnp
import numpy as np

N = 50000
E = 800000
D_IN = 128
H = 32
HEADS = 4
G = 1024
R = 5


def _lin_init(key, i, o):
    s = 1.0 / np.sqrt(i)
    k1, k2 = jax.random.split(key)
    return {"W": jax.random.uniform(k1, (i, o), jnp.float32, -s, s),
            "b": jax.random.uniform(k2, (o,), jnp.float32, -s, s)}


def _tlayer_init(key, in_dim):
    kq, kk, kv, ks = jax.random.split(key, 4)
    return {"q": _lin_init(kq, in_dim, HEADS * H),
            "k": _lin_init(kk, in_dim, HEADS * H),
            "v": _lin_init(kv, in_dim, HEADS * H),
            "skip": _lin_init(ks, in_dim, HEADS * H)}


def setup_inputs(seed: int = 0) -> dict:
    key = jax.random.key(seed)
    ks = jax.random.split(key, 12)
    x = jax.random.normal(ks[0], (N, D_IN), jnp.float32)
    edge_index = jax.random.randint(ks[1], (2, E), 0, N)
    batch = jnp.sort(jax.random.randint(ks[2], (N,), 0, G))
    params = {
        "in0": {**_lin_init(ks[3], D_IN, H), "g": jnp.ones((H,), jnp.float32), "beta": jnp.zeros((H,), jnp.float32)},
        "in1": {**_lin_init(ks[4], H, H), "g": jnp.ones((H,), jnp.float32), "beta": jnp.zeros((H,), jnp.float32)},
        "t0": _tlayer_init(ks[5], H),
        "t1": _tlayer_init(ks[6], HEADS * H),
        "r0": {**_lin_init(ks[7], 5 * HEADS * H, H), "g": jnp.ones((H,), jnp.float32), "beta": jnp.zeros((H,), jnp.float32)},
        "r1": {**_lin_init(ks[8], H, H), "g": jnp.ones((H,), jnp.float32), "beta": jnp.zeros((H,), jnp.float32)},
        "r2": _lin_init(ks[9], H, R),
    }
    return {"x": x, "batch": batch, "edge_index": edge_index, "params": params}


def _layer_norm(x, g, b, eps=1e-5):
    m = jnp.mean(x, axis=-1, keepdims=True)
    v = jnp.mean((x - m) ** 2, axis=-1, keepdims=True)
    return (x - m) / jnp.sqrt(v + eps) * g + b


def _transformer_conv(x, src, dst, p):
    n = x.shape[0]
    q = (x @ p["q"]["W"] + p["q"]["b"]).reshape(n, HEADS, H)
    k = (x @ p["k"]["W"] + p["k"]["b"]).reshape(n, HEADS, H)
    v = (x @ p["v"]["W"] + p["v"]["b"]).reshape(n, HEADS, H)
    alpha = jnp.sum(q[dst] * k[src], axis=-1) / jnp.sqrt(float(H))
    amax = jax.ops.segment_max(alpha, dst, num_segments=n)
    amax = jnp.where(jnp.isfinite(amax), amax, 0.0)
    ex = jnp.exp(alpha - amax[dst])
    denom = jax.ops.segment_sum(ex, dst, num_segments=n)
    attn = ex / (denom[dst] + 1e-16)
    msg = v[src] * attn[:, :, None]
    out = jax.ops.segment_sum(msg, dst, num_segments=n).reshape(n, HEADS * H)
    return out + x @ p["skip"]["W"] + p["skip"]["b"]


def _multi_aggr(x, batch):
    s = jax.ops.segment_sum(x, batch, num_segments=G)
    cnt = jax.ops.segment_sum(jnp.ones((x.shape[0],), x.dtype), batch, num_segments=G)[:, None]
    safe = jnp.maximum(cnt, 1.0)
    mean = s / safe
    mn = jax.ops.segment_min(x, batch, num_segments=G)
    mx = jax.ops.segment_max(x, batch, num_segments=G)
    mn = jnp.where(cnt > 0, mn, 0.0)
    mx = jnp.where(cnt > 0, mx, 0.0)
    mean2 = jax.ops.segment_sum(x * x, batch, num_segments=G) / safe
    var = mean2 - mean ** 2
    std = jnp.sqrt(jnp.clip(var, 1e-5))
    return jnp.concatenate([s, mean, mn, mx, std], axis=-1)


def reference(x, batch, edge_index, params):
    src, dst = edge_index[0], edge_index[1]
    p = params
    h = jax.nn.relu(_layer_norm(x @ p["in0"]["W"] + p["in0"]["b"], p["in0"]["g"], p["in0"]["beta"]))
    h = jax.nn.relu(_layer_norm(h @ p["in1"]["W"] + p["in1"]["b"], p["in1"]["g"], p["in1"]["beta"]))
    h = _transformer_conv(h, src, dst, p["t0"])
    h = _transformer_conv(h, src, dst, p["t1"])
    g = _multi_aggr(h, batch)
    g = jax.nn.relu(_layer_norm(g @ p["r0"]["W"] + p["r0"]["b"], p["r0"]["g"], p["r0"]["beta"]))
    g = jax.nn.relu(_layer_norm(g @ p["r1"]["W"] + p["r1"]["b"], p["r1"]["g"], p["r1"]["beta"]))
    return g @ p["r2"]["W"] + p["r2"]["b"]

if __name__ == "__main__":
    import jax
    _d = setup_inputs()
    print(jax.jit(kernel)(*tuple(_d.values())))

</pallas_src>

<mosaic_0001>
#map = affine_map<(d0, d1) -> (0, 0)>
#map1 = affine_map<(d0, d1) -> (0)>
#map2 = affine_map<(d0, d1) -> (0, 0, 0)>
module attributes {stable_mosaic.version = 14 : i64} {
  func.func @_sc_alpha_body(%arg0: i32, %arg1: i32, %arg2: memref<50000x128xf32, #tpu.memory_space<hbm>>, %arg3: memref<50000x128xf32, #tpu.memory_space<hbm>>, %arg4: memref<800000xi32, #tpu.memory_space<hbm>>, %arg5: memref<800000xi32, #tpu.memory_space<hbm>>, %arg6: memref<3200000xf32, #tpu.memory_space<hbm>>, %arg7: memref<32x4x16xf32, #tpu.memory_space<hbm>>, %arg8: memref<128xi32, #tpu.memory_space<vmem>>, %arg9: memref<128xi32, #tpu.memory_space<vmem>>, %arg10: memref<128x128xf32, #tpu.memory_space<vmem>>, %arg11: memref<128x128xf32, #tpu.memory_space<vmem>>, %arg12: memref<512xf32, #tpu.memory_space<vmem>>, %arg13: memref<4x16xf32, #tpu.memory_space<vmem>>, %arg14: memref<!tpu.dma_semaphore, #tpu.memory_space<semaphore_mem>>) attributes {dimension_semantics = [#tpu.dimension_semantics<core_parallel>, #tpu.dimension_semantics<subcore_parallel>], iteration_bounds = array<i64: 2, 16>, scalar_prefetch = 0 : i64, scratch_operands = 7 : i64, tpu.core_type = #tpu.core_type<sc_vector_subcore>, window_params = [{transform_indices = #map}, {transform_indices = #map}, {transform_indices = #map1}, {transform_indices = #map1}, {transform_indices = #map1}, {transform_indices = #map2}]} {
    %mul3A = arith.constant 2 : i32
    %mul3A_0 = arith.muli %arg1, %mul3A : i32
    %add3A = arith.addi %mul3A_0, %arg0 : i32
    %iota3A = tpu.iota {dimensions = array<i32: 0>} : vector<16xi32>
    %broadcast_in_dim3A = arith.constant -1.000000e+30 : f32
    %broadcast_in_dim3A_1 = vector.broadcast %broadcast_in_dim3A : f32 to vector<16xf32>
    %lt3A = arith.constant 10 : i32
    %lt3A_2 = arith.cmpi slt, %add3A, %lt3A : i32
    %jit3A = arith.constant 1 : i32
    %jit3A_3 = arith.constant 0 : i32
    %select_n3A = arith.select %lt3A_2, %jit3A, %jit3A_3 : i32
    %add3A_4 = arith.constant 195 : i32
    %add3A_5 = arith.addi %add3A_4, %select_n3A : i32
    %while3A = arith.constant 0 : i32
    %while3A_6 = arith.subi %add3A_5, %while3A : i32
    %while3A_7 = arith.addi %while3A, %while3A_6 : i32
    %while3A_8 = arith.constant 1 : i32
    %while3A_9 = arith.divsi %while3A_6, %while3A_8 : i32
    %while3A_10 = arith.muli %while3A_9, %while3A_8 : i32
    %while3A_11 = arith.addi %while3A, %while3A_10 : i32
    %while3A_12 = arith.constant 1 : i32
    %while3A_13:4 = scf.for %while3A_31 = %while3A to %while3A_11 step %while3A_12 iter_args(%while3A_32 = %broadcast_in_dim3A_1, %while3A_33 = %broadcast_in_dim3A_1, %while3A_34 = %broadcast_in_dim3A_1, %while3A_35 = %broadcast_in_dim3A_1) -> (vector<16xf32>, vector<16xf32>, vector<16xf32>, vector<16xf32>)  : i32 {
      %mul3A_36 = arith.constant 32 : i32
      %mul3A_37 = arith.muli %mul3A_36, %while3A_31 : i32
      %add3A_38 = arith.addi %add3A, %mul3A_37 : i32
      %mul3A_39 = arith.constant 128 : i32
      %mul3A_40 = arith.muli %add3A_38, %mul3A_39 : i32
      "tpu.region"() ({
        %run_scoped3A = tpu.sem_alloc : memref<!tpu.dma_semaphore, #tpu.memory_space<semaphore_mem>>
        %dma_start3A_58 = tpu.memref_slice %arg4[%mul3A_40] : memref<800000xi32, #tpu.memory_space<hbm>> -> memref<128xi32, #tpu.memory_space<hbm>>
        %dma_start3A_59 = tpu.memref_slice %arg4[%mul3A_40] : memref<800000xi32, #tpu.memory_space<hbm>> -> memref<128xi32, #tpu.memory_space<hbm>>
        tpu.enqueue_dma source(%dma_start3A_59 : memref<128xi32, #tpu.memory_space<hbm>>) target(%arg8 : memref<128xi32, #tpu.memory_space<vmem>>) target_semaphore(%run_scoped3A : memref<!tpu.dma_semaphore, #tpu.memory_space<semaphore_mem>>)
        %dma_wait3A_60 = tpu.memref_slice %arg4[%mul3A_40] : memref<800000xi32, #tpu.memory_space<hbm>> -> memref<128xi32, #tpu.memory_space<hbm>>
        %dma_wait3A_61 = tpu.memref_slice %arg4[%mul3A_40] : memref<800000xi32, #tpu.memory_space<hbm>> -> memref<128xi32, #tpu.memory_space<hbm>>
        tpu.wait_dma2 semaphore(%run_scoped3A : memref<!tpu.dma_semaphore, #tpu.memory_space<semaphore_mem>>) src(%dma_wait3A_61 : memref<128xi32, #tpu.memory_space<hbm>>) dst(%arg8 : memref<128xi32, #tpu.memory_space<vmem>>)
        tpu.yield
      }) : () -> ()
      "tpu.region"() ({
        %run_scoped3A = tpu.sem_alloc : memref<!tpu.dma_semaphore, #tpu.memory_space<semaphore_mem>>
        %dma_start3A_58 = tpu.memref_slice %arg5[%mul3A_40] : memref<800000xi32, #tpu.memory_space<hbm>> -> memref<128xi32, #tpu.memory_space<hbm>>
        %dma_start3A_59 = tpu.memref_slice %arg5[%mul3A_40] : memref<800000xi32, #tpu.memory_space<hbm>> -> memref<128xi32, #tpu.memory_space<hbm>>
        tpu.enqueue_dma source(%dma_start3A_59 : memref<128xi32, #tpu.memory_space<hbm>>) target(%arg9 : memref<128xi32, #tpu.memory_space<vmem>>) target_semaphore(%run_scoped3A : memref<!tpu.dma_semaphore, #tpu.memory_space<semaphore_mem>>)
        %dma_wait3A_60 = tpu.memref_slice %arg5[%mul3A_40] : memref<800000xi32, #tpu.memory_space<hbm>> -> memref<128xi32, #tpu.memory_space<hbm>>
        %dma_wait3A_61 = tpu.memref_slice %arg5[%mul3A_40] : memref<800000xi32, #tpu.memory_space<hbm>> -> memref<128xi32, #tpu.memory_space<hbm>>
        tpu.wait_dma2 semaphore(%run_scoped3A : memref<!tpu.dma_semaphore, #tpu.memory_space<semaphore_mem>>) src(%dma_wait3A_61 : memref<128xi32, #tpu.memory_space<hbm>>) dst(%arg9 : memref<128xi32, #tpu.memory_space<vmem>>)
        tpu.yield
      }) : () -> ()
      %dma_start3A = arith.constant 0 : i32
      %dma_start3A_41 = arith.constant 0 : i32
      %dma_start3A_42 = tpu.memref_slice %arg2[%dma_start3A, %dma_start3A_41] : memref<50000x128xf32, #tpu.memory_space<hbm>> -> memref<50000x128xf32, #tpu.memory_space<hbm>>
      tpu.enqueue_indirect_dma source(%dma_start3A_42 : memref<50000x128xf32, #tpu.memory_space<hbm>>) target(%arg10 : memref<128x128xf32, #tpu.memory_space<vmem>>) offsets(%arg9 : memref<128xi32, #tpu.memory_space<vmem>>) semaphore(%arg14 : memref<!tpu.dma_semaphore, #tpu.memory_space<semaphore_mem>>)
      %dma_start3A_43 = arith.constant 0 : i32
      %dma_start3A_44 = arith.constant 0 : i32
      %dma_start3A_45 = tpu.memref_slice %arg3[%dma_start3A_43, %dma_start3A_44] : memref<50000x128xf32, #tpu.memory_space<hbm>> -> memref<50000x128xf32, #tpu.memory_space<hbm>>
      tpu.enqueue_indirect_dma source(%dma_start3A_45 : memref<50000x128xf32, #tpu.memory_space<hbm>>) target(%arg11 : memref<128x128xf32, #tpu.memory_space<vmem>>) offsets(%arg8 : memref<128xi32, #tpu.memory_space<vmem>>) semaphore(%arg14 : memref<!tpu.dma_semaphore, #tpu.memory_space<semaphore_mem>>)
      %dma_wait3A = arith.constant 0 : i32
      %dma_wait3A_46 = arith.constant 0 : i32
      %dma_wait3A_47 = tpu.memref_slice %arg2[%dma_wait3A, %dma_wait3A_46] : memref<50000x128xf32, #tpu.memory_space<hbm>> -> memref<50000x128xf32, #tpu.memory_space<hbm>>
      tpu.wait_indirect_dma semaphore(%arg14 : memref<!tpu.dma_semaphore, #tpu.memory_space<semaphore_mem>>) src(%dma_wait3A_47 : memref<50000x128xf32, #tpu.memory_space<hbm>>) dst(%arg10 : memref<128x128xf32, #tpu.memory_space<vmem>>)
      %dma_wait3A_48 = arith.constant 0 : i32
      %dma_wait3A_49 = arith.constant 0 : i32
      %dma_wait3A_50 = tpu.memref_slice %arg3[%dma_wait3A_48, %dma_wait3A_49] : memref<50000x128xf32, #tpu.memory_space<hbm>> -> memref<50000x128xf32, #tpu.memory_space<hbm>>
      tpu.wait_indirect_dma semaphore(%arg14 : memref<!tpu.dma_semaphore, #tpu.memory_space<semaphore_mem>>) src(%dma_wait3A_50 : memref<50000x128xf32, #tpu.memory_space<hbm>>) dst(%arg11 : memref<128x128xf32, #tpu.memory_space<vmem>>)
      %scan3A = arith.constant 0 : i32
      %scan3A_51 = arith.constant 32 : i32
      %scan3A_52 = arith.addi %scan3A, %scan3A_51 : i32
      %scan3A_53 = arith.constant 1 : i32
      %scan3A_54:4 = scf.for %scan3A_58 = %scan3A to %scan3A_52 step %scan3A_53 iter_args(%scan3A_59 = %while3A_32, %scan3A_60 = %while3A_33, %scan3A_61 = %while3A_34, %scan3A_62 = %while3A_35) -> (vector<16xf32>, vector<16xf32>, vector<16xf32>, vector<16xf32>)  : i32 {
        %jit3A_63 = arith.constant 4 : i32
        %div3A = arith.divsi %scan3A_58, %jit3A_63 : i32
        %sign3A = arith.constant 0 : i32
        %sign3A_64 = arith.cmpi sgt, %scan3A_58, %sign3A : i32
        %sign3A_65 = arith.extui %sign3A_64 : i1 to i32
        %sign3A_66 = arith.constant 0 : i32
        %sign3A_67 = arith.cmpi slt, %scan3A_58, %sign3A_66 : i32
        %sign3A_68 = arith.extui %sign3A_67 : i1 to i32
        %sign3A_69 = arith.subi %sign3A_65, %sign3A_68 : i32
        %sign3A_70 = arith.constant 0 : i32
        %sign3A_71 = arith.cmpi sgt, %jit3A_63, %sign3A_70 : i32
        %sign3A_72 = arith.extui %sign3A_71 : i1 to i32
        %sign3A_73 = arith.constant 0 : i32
        %sign3A_74 = arith.cmpi slt, %jit3A_63, %sign3A_73 : i32
        %sign3A_75 = arith.extui %sign3A_74 : i1 to i32
        %sign3A_76 = arith.subi %sign3A_72, %sign3A_75 : i32
        %ne3A = arith.cmpi ne, %sign3A_69, %sign3A_76 : i32
        %rem3A = arith.remsi %scan3A_58, %jit3A_63 : i32
        %ne3A_77 = arith.constant 0 : i32
        %ne3A_78 = arith.cmpi ne, %rem3A, %ne3A_77 : i32
        %and3A = arith.andi %ne3A, %ne3A_78 : i1
        %sub3A = arith.constant 1 : i32
        %sub3A_79 = arith.subi %div3A, %sub3A : i32
        %select_n3A_80 = arith.select %and3A, %sub3A_79, %div3A : i32
        %jit3A_81 = arith.constant 4 : i32
        %eq3A = arith.constant 0 : i32
        %eq3A_82 = arith.cmpi eq, %jit3A_81, %eq3A : i32
        %jit3A_83 = arith.constant 1 : i32
        %select_n3A_84 = arith.select %eq3A_82, %jit3A_83, %jit3A_81 : i32
        %rem3A_85 = arith.remsi %scan3A_58, %select_n3A_84 : i32
        %ne3A_86 = arith.constant 0 : i32
        %ne3A_87 = arith.cmpi ne, %rem3A_85, %ne3A_86 : i32
        %lt3A_88 = arith.constant 0 : i32
        %lt3A_89 = arith.cmpi slt, %rem3A_85, %lt3A_88 : i32
        %lt3A_90 = arith.constant 0 : i32
        %lt3A_91 = arith.cmpi slt, %select_n3A_84, %lt3A_90 : i32
        %ne3A_92 = arith.xori %lt3A_89, %lt3A_91 : i1
        %and3A_93 = arith.andi %ne3A_92, %ne3A_87 : i1
        %add3A_94 = arith.addi %rem3A_85, %select_n3A_84 : i32
        %select_n3A_95 = arith.select %and3A_93, %add3A_94, %rem3A_85 : i32
        %mul3A_96 = arith.constant 16 : i32
        %mul3A_97 = arith.muli %select_n3A_80, %mul3A_96 : i32
        %add3A_98 = vector.broadcast %mul3A_97 : i32 to vector<16xi32>
        %add3A_99 = arith.addi %add3A_98, %iota3A : vector<16xi32>
        %mul3A_100 = arith.constant 32 : i32
        %mul3A_101 = arith.muli %select_n3A_95, %mul3A_100 : i32
        %broadcast_in_dim3A_102 = vector.broadcast %mul3A_101 : i32 to vector<16xi32>
        %broadcast_in_dim3A_103 = arith.constant 0.000000e+00 : f32
        %broadcast_in_dim3A_104 = vector.broadcast %broadcast_in_dim3A_103 : f32 to vector<16xf32>
        %add3A_105 = arith.constant 0 : i32
        %add3A_106 = vector.broadcast %add3A_105 : i32 to vector<16xi32>
        %add3A_107 = arith.addi %broadcast_in_dim3A_102, %add3A_106 : vector<16xi32>
        %gather3A = tpu.vector_load_idx %arg10[%add3A_99, %add3A_107] : memref<128x128xf32, #tpu.memory_space<vmem>>[vector<16xi32>, vector<16xi32>], vector<16xf32>,
        %gather3A_108 = tpu.vector_load_idx %arg11[%add3A_99, %add3A_107] : memref<128x128xf32, #tpu.memory_space<vmem>>[vector<16xi32>, vector<16xi32>], vector<16xf32>,
        %mul3A_109 = arith.mulf %gather3A, %gather3A_108 : vector<16xf32>
        %add3A_110 = arith.addf %broadcast_in_dim3A_104, %mul3A_109 : vector<16xf32>
        %add3A_111 = arith.constant 1 : i32
        %add3A_112 = vector.broadcast %add3A_111 : i32 to vector<16xi32>
        %add3A_113 = arith.addi %broadcast_in_dim3A_102, %add3A_112 : vector<16xi32>
        %gather3A_114 = tpu.vector_load_idx %arg10[%add3A_99, %add3A_113] : memref<128x128xf32, #tpu.memory_space<vmem>>[vector<16xi32>, vector<16xi32>], vector<16xf32>,
        %gather3A_115 = tpu.vector_load_idx %arg11[%add3A_99, %add3A_113] : memref<128x128xf32, #tpu.memory_space<vmem>>[vector<16xi32>, vector<16xi32>], vector<16xf32>,
        %mul3A_116 = arith.mulf %gather3A_114, %gather3A_115 : vector<16xf32>
        %add3A_117 = arith.addf %add3A_110, %mul3A_116 : vector<16xf32>
        %add3A_118 = arith.constant 2 : i32
        %add3A_119 = vector.broadcast %add3A_118 : i32 to vector<16xi32>
        %add3A_120 = arith.addi %broadcast_in_dim3A_102, %add3A_119 : vector<16xi32>
        %gather3A_121 = tpu.vector_load_idx %arg10[%add3A_99, %add3A_120] : memref<128x128xf32, #tpu.memory_space<vmem>>[vector<16xi32>, vector<16xi32>], vector<16xf32>,
        %gather3A_122 = tpu.vector_load_idx %arg11[%add3A_99, %add3A_120] : memref<128x128xf32, #tpu.memory_space<vmem>>[vector<16xi32>, vector<16xi32>], vector<16xf32>,
        %mul3A_123 = arith.mulf %gather3A_121, %gather3A_122 : vector<16xf32>
        %add3A_124 = arith.addf %add3A_117, %mul3A_123 : vector<16xf32>
        %add3A_125 = arith.constant 3 : i32
        %add3A_126 = vector.broadcast %add3A_125 : i32 to vector<16xi32>
        %add3A_127 = arith.addi %broadcast_in_dim3A_102, %add3A_126 : vector<16xi32>
        %gather3A_128 = tpu.vector_load_idx %arg10[%add3A_99, %add3A_127] : memref<128x128xf32, #tpu.memory_space<vmem>>[vector<16xi32>, vector<16xi32>], vector<16xf32>,
        %gather3A_129 = tpu.vector_load_idx %arg11[%add3A_99, %add3A_127] : memref<128x128xf32, #tpu.memory_space<vmem>>[vector<16xi32>, vector<16xi32>], vector<16xf32>,
        %mul3A_130 = arith.mulf %gather3A_128, %gather3A_129 : vector<16xf32>
        %add3A_131 = arith.addf %add3A_124, %mul3A_130 : vector<16xf32>
        %add3A_132 = arith.constant 4 : i32
        %add3A_133 = vector.broadcast %add3A_132 : i32 to vector<16xi32>
        %add3A_134 = arith.addi %broadcast_in_dim3A_102, %add3A_133 : vector<16xi32>
        %gather3A_135 = tpu.vector_load_idx %arg10[%add3A_99, %add3A_134] : memref<128x128xf32, #tpu.memory_space<vmem>>[vector<16xi32>, vector<16xi32>], vector<16xf32>,
        %gather3A_136 = tpu.vector_load_idx %arg11[%add3A_99, %add3A_134] : memref<128x128xf32, #tpu.memory_space<vmem>>[vector<16xi32>, vector<16xi32>], vector<16xf32>,
        %mul3A_137 = arith.mulf %gather3A_135, %gather3A_136 : vector<16xf32>
        %add3A_138 = arith.addf %add3A_131, %mul3A_137 : vector<16xf32>
        %add3A_139 = arith.constant 5 : i32
        %add3A_140 = vector.broadcast %add3A_139 : i32 to vector<16xi32>
        %add3A_141 = arith.addi %broadcast_in_dim3A_102, %add3A_140 : vector<16xi32>
        %gather3A_142 = tpu.vector_load_idx %arg10[%add3A_99, %add3A_141] : memref<128x128xf32, #tpu.memory_space<vmem>>[vector<16xi32>, vector<16xi32>], vector<16xf32>,
        %gather3A_143 = tpu.vector_load_idx %arg11[%add3A_99, %add3A_141] : memref<128x128xf32, #tpu.memory_space<vmem>>[vector<16xi32>, vector<16xi32>], vector<16xf32>,
        %mul3A_144 = arith.mulf %gather3A_142, %gather3A_143 : vector<16xf32>
        %add3A_145 = arith.addf %add3A_138, %mul3A_144 : vector<16xf32>
        %add3A_146 = arith.constant 6 : i32
        %add3A_147 = vector.broadcast %add3A_146 : i32 to vector<16xi32>
        %add3A_148 = arith.addi %broadcast_in_dim3A_102, %add3A_147 : vector<16xi32>
        %gather3A_149 = tpu.vector_load_idx %arg10[%add3A_99, %add3A_148] : memref<128x128xf32, #tpu.memory_space<vmem>>[vector<16xi32>, vector<16xi32>], vector<16xf32>,
        %gather3A_150 = tpu.vector_load_idx %arg11[%add3A_99, %add3A_148] : memref<128x128xf32, #tpu.memory_space<vmem>>[vector<16xi32>, vector<16xi32>], vector<16xf32>,
        %mul3A_151 = arith.mulf %gather3A_149, %gather3A_150 : vector<16xf32>
        %add3A_152 = arith.addf %add3A_145, %mul3A_151 : vector<16xf32>
        %add3A_153 = arith.constant 7 : i32
        %add3A_154 = vector.broadcast %add3A_153 : i32 to vector<16xi32>
        %add3A_155 = arith.addi %broadcast_in_dim3A_102, %add3A_154 : vector<16xi32>
        %gather3A_156 = tpu.vector_load_idx %arg10[%add3A_99, %add3A_155] : memref<128x128xf32, #tpu.memory_space<vmem>>[vector<16xi32>, vector<16xi32>], vector<16xf32>,
        %gather3A_157 = tpu.vector_load_idx %arg11[%add3A_99, %add3A_155] : memref<128x128xf32, #tpu.memory_space<vmem>>[vector<16xi32>, vector<16xi32>], vector<16xf32>,
        %mul3A_158 = arith.mulf %gather3A_156, %gather3A_157 : vector<16xf32>
        %add3A_159 = arith.addf %add3A_152, %mul3A_158 : vector<16xf32>
        %add3A_160 = arith.constant 8 : i32
        %add3A_161 = vector.broadcast %add3A_160 : i32 to vector<16xi32>
        %add3A_162 = arith.addi %broadcast_in_dim3A_102, %add3A_161 : vector<16xi32>
        %gather3A_163 = tpu.vector_load_idx %arg10[%add3A_99, %add3A_162] : memref<128x128xf32, #tpu.memory_space<vmem>>[vector<16xi32>, vector<16xi32>], vector<16xf32>,
        %gather3A_164 = tpu.vector_load_idx %arg11[%add3A_99, %add3A_162] : memref<128x128xf32, #tpu.memory_space<vmem>>[vector<16xi32>, vector<16xi32>], vector<16xf32>,
        %mul3A_165 = arith.mulf %gather3A_163, %gather3A_164 : vector<16xf32>
        %add3A_166 = arith.addf %add3A_159, %mul3A_165 : vector<16xf32>
        %add3A_167 = arith.constant 9 : i32
        %add3A_168 = vector.broadcast %add3A_167 : i32 to vector<16xi32>
        %add3A_169 = arith.addi %broadcast_in_dim3A_102, %add3A_168 : vector<16xi32>
        %gather3A_170 = tpu.vector_load_idx %arg10[%add3A_99, %add3A_169] : memref<128x128xf32, #tpu.memory_space<vmem>>[vector<16xi32>, vector<16xi32>], vector<16xf32>,
        %gather3A_171 = tpu.vector_load_idx %arg11[%add3A_99, %add3A_169] : memref<128x128xf32, #tpu.memory_space<vmem>>[vector<16xi32>, vector<16xi32>], vector<16xf32>,
        %mul3A_172 = arith.mulf %gather3A_170, %gather3A_171 : vector<16xf32>
        %add3A_173 = arith.addf %add3A_166, %mul3A_172 : vector<16xf32>
        %add3A_174 = arith.constant 10 : i32
        %add3A_175 = vector.broadcast %add3A_174 : i32 to vector<16xi32>
        %add3A_176 = arith.addi %broadcast_in_dim3A_102, %add3A_175 : vector<16xi32>
        %gather3A_177 = tpu.vector_load_idx %arg10[%add3A_99, %add3A_176] : memref<128x128xf32, #tpu.memory_space<vmem>>[vector<16xi32>, vector<16xi32>], vector<16xf32>,
        %gather3A_178 = tpu.vector_load_idx %arg11[%add3A_99, %add3A_176] : memref<128x128xf32, #tpu.memory_space<vmem>>[vector<16xi32>, vector<16xi32>], vector<16xf32>,
        %mul3A_179 = arith.mulf %gather3A_177, %gather3A_178 : vector<16xf32>
        %add3A_180 = arith.addf %add3A_173, %mul3A_179 : vector<16xf32>
        %add3A_181 = arith.constant 11 : i32
        %add3A_182 = vector.broadcast %add3A_181 : i32 to vector<16xi32>
        %add3A_183 = arith.addi %broadcast_in_dim3A_102, %add3A_182 : vector<16xi32>
        %gather3A_184 = tpu.vector_load_idx %arg10[%add3A_99, %add3A_183] : memref<128x128xf32, #tpu.memory_space<vmem>>[vector<16xi32>, vector<16xi32>], vector<16xf32>,
        %gather3A_185 = tpu.vector_load_idx %arg11[%add3A_99, %add3A_183] : memref<128x128xf32, #tpu.memory_space<vmem>>[vector<16xi32>, vector<16xi32>], vector<16xf32>,
        %mul3A_186 = arith.mulf %gather3A_184, %gather3A_185 : vector<16xf32>
        %add3A_187 = arith.addf %add3A_180, %mul3A_186 : vector<16xf32>
        %add3A_188 = arith.constant 12 : i32
        %add3A_189 = vector.broadcast %add3A_188 : i32 to vector<16xi32>
        %add3A_190 = arith.addi %broadcast_in_dim3A_102, %add3A_189 : vector<16xi32>
        %gather3A_191 = tpu.vector_load_idx %arg10[%add3A_99, %add3A_190] : memref<128x128xf32, #tpu.memory_space<vmem>>[vector<16xi32>, vector<16xi32>], vector<16xf32>,
        %gather3A_192 = tpu.vector_load_idx %arg11[%add3A_99, %add3A_190] : memref<128x128xf32, #tpu.memory_space<vmem>>[vector<16xi32>, vector<16xi32>], vector<16xf32>,
        %mul3A_193 = arith.mulf %gather3A_191, %gather3A_192 : vector<16xf32>
        %add3A_194 = arith.addf %add3A_187, %mul3A_193 : vector<16xf32>
        %add3A_195 = arith.constant 13 : i32
        %add3A_196 = vector.broadcast %add3A_195 : i32 to vector<16xi32>
        %add3A_197 = arith.addi %broadcast_in_dim3A_102, %add3A_196 : vector<16xi32>
        %gather3A_198 = tpu.vector_load_idx %arg10[%add3A_99, %add3A_197] : memref<128x128xf32, #tpu.memory_space<vmem>>[vector<16xi32>, vector<16xi32>], vector<16xf32>,
        %gather3A_199 = tpu.vector_load_idx %arg11[%add3A_99, %add3A_197] : memref<128x128xf32, #tpu.memory_space<vmem>>[vector<16xi32>, vector<16xi32>], vector<16xf32>,
        %mul3A_200 = arith.mulf %gather3A_198, %gather3A_199 : vector<16xf32>
        %add3A_201 = arith.addf %add3A_194, %mul3A_200 : vector<16xf32>
        %add3A_202 = arith.constant 14 : i32
        %add3A_203 = vector.broadcast %add3A_202 : i32 to vector<16xi32>
        %add3A_204 = arith.addi %broadcast_in_dim3A_102, %add3A_203 : vector<16xi32>
        %gather3A_205 = tpu.vector_load_idx %arg10[%add3A_99, %add3A_204] : memref<128x128xf32, #tpu.memory_space<vmem>>[vector<16xi32>, vector<16xi32>], vector<16xf32>,
        %gather3A_206 = tpu.vector_load_idx %arg11[%add3A_99, %add3A_204] : memref<128x128xf32, #tpu.memory_space<vmem>>[vector<16xi32>, vector<16xi32>], vector<16xf32>,
        %mul3A_207 = arith.mulf %gather3A_205, %gather3A_206 : vector<16xf32>
        %add3A_208 = arith.addf %add3A_201, %mul3A_207 : vector<16xf32>
        %add3A_209 = arith.constant 15 : i32
        %add3A_210 = vector.broadcast %add3A_209 : i32 to vector<16xi32>
        %add3A_211 = arith.addi %broadcast_in_dim3A_102, %add3A_210 : vector<16xi32>
        %gather3A_212 = tpu.vector_load_idx %arg10[%add3A_99, %add3A_211] : memref<128x128xf32, #tpu.memory_space<vmem>>[vector<16xi32>, vector<16xi32>], vector<16xf32>,
        %gather3A_213 = tpu.vector_load_idx %arg11[%add3A_99, %add3A_211] : memref<128x128xf32, #tpu.memory_space<vmem>>[vector<16xi32>, vector<16xi32>], vector<16xf32>,
        %mul3A_214 = arith.mulf %gather3A_212, %gather3A_213 : vector<16xf32>
        %add3A_215 = arith.addf %add3A_208, %mul3A_214 : vector<16xf32>
        %add3A_216 = arith.constant 16 : i32
        %add3A_217 = vector.broadcast %add3A_216 : i32 to vector<16xi32>
        %add3A_218 = arith.addi %broadcast_in_dim3A_102, %add3A_217 : vector<16xi32>
        %gather3A_219 = tpu.vector_load_idx %arg10[%add3A_99, %add3A_218] : memref<128x128xf32, #tpu.memory_space<vmem>>[vector<16xi32>, vector<16xi32>], vector<16xf32>,
        %gather3A_220 = tpu.vector_load_idx %arg11[%add3A_99, %add3A_218] : memref<128x128xf32, #tpu.memory_space<vmem>>[vector<16xi32>, vector<16xi32>], vector<16xf32>,
        %mul3A_221 = arith.mulf %gather3A_219, %gather3A_220 : vector<16xf32>
        %add3A_222 = arith.addf %add3A_215, %mul3A_221 : vector<16xf32>
        %add3A_223 = arith.constant 17 : i32
        %add3A_224 = vector.broadcast %add3A_223 : i32 to vector<16xi32>
        %add3A_225 = arith.addi %broadcast_in_dim3A_102, %add3A_224 : vector<16xi32>
        %gather3A_226 = tpu.vector_load_idx %arg10[%add3A_99, %add3A_225] : memref<128x128xf32, #tpu.memory_space<vmem>>[vector<16xi32>, vector<16xi32>], vector<16xf32>,
        %gather3A_227 = tpu.vector_load_idx %arg11[%add3A_99, %add3A_225] : memref<128x128xf32, #tpu.memory_space<vmem>>[vector<16xi32>, vector<16xi32>], vector<16xf32>,
        %mul3A_228 = arith.mulf %gather3A_226, %gather3A_227 : vector<16xf32>
        %add3A_229 = arith.addf %add3A_222, %mul3A_228 : vector<16xf32>
        %add3A_230 = arith.constant 18 : i32
        %add3A_231 = vector.broadcast %add3A_230 : i32 to vector<16xi32>
        %add3A_232 = arith.addi %broadcast_in_dim3A_102, %add3A_231 : vector<16xi32>
        %gather3A_233 = tpu.vector_load_idx %arg10[%add3A_99, %add3A_232] : memref<128x128xf32, #tpu.memory_space<vmem>>[vector<16xi32>, vector<16xi32>], vector<16xf32>,
        %gather3A_234 = tpu.vector_load_idx %arg11[%add3A_99, %add3A_232] : memref<128x128xf32, #tpu.memory_space<vmem>>[vector<16xi32>, vector<16xi32>], vector<16xf32>,
        %mul3A_235 = arith.mulf %gather3A_233, %gather3A_234 : vector<16xf32>
        %add3A_236 = arith.addf %add3A_229, %mul3A_235 : vector<16xf32>
        %add3A_237 = arith.constant 19 : i32
        %add3A_238 = vector.broadcast %add3A_237 : i32 to vector<16xi32>
        %add3A_239 = arith.addi %broadcast_in_dim3A_102, %add3A_238 : vector<16xi32>
        %gather3A_240 = tpu.vector_load_idx %arg10[%add3A_99, %add3A_239] : memref<128x128xf32, #tpu.memory_space<vmem>>[vector<16xi32>, vector<16xi32>], vector<16xf32>,
        %gather3A_241 = tpu.vector_load_idx %arg11[%add3A_99, %add3A_239] : memref<128x128xf32, #tpu.memory_space<vmem>>[vector<16xi32>, vector<16xi32>], vector<16xf32>,
        %mul3A_242 = arith.mulf %gather3A_240, %gather3A_241 : vector<16xf32>
        %add3A_243 = arith.addf %add3A_236, %mul3A_242 : vector<16xf32>
        %add3A_244 = arith.constant 20 : i32
        %add3A_245 = vector.broadcast %add3A_244 : i32 to vector<16xi32>
        %add3A_246 = arith.addi %broadcast_in_dim3A_102, %add3A_245 : vector<16xi32>
        %gather3A_247 = tpu.vector_load_idx %arg10[%add3A_99, %add3A_246] : memref<128x128xf32, #tpu.memory_space<vmem>>[vector<16xi32>, vector<16xi32>], vector<16xf32>,
        %gather3A_248 = tpu.vector_load_idx %arg11[%add3A_99, %add3A_246] : memref<128x128xf32, #tpu.memory_space<vmem>>[vector<16xi32>, vector<16xi32>], vector<16xf32>,
        %mul3A_249 = arith.mulf %gather3A_247, %gather3A_248 : vector<16xf32>
        %add3A_250 = arith.addf %add3A_243, %mul3A_249 : vector<16xf32>
        %add3A_251 = arith.constant 21 : i32
        %add3A_252 = vector.broadcast %add3A_251 : i32 to vector<16xi32>
        %add3A_253 = arith.addi %broadcast_in_dim3A_102, %add3A_252 : vector<16xi32>
        %gather3A_254 = tpu.vector_load_idx %arg10[%add3A_99, %add3A_253] : memref<128x128xf32, #tpu.memory_space<vmem>>[vector<16xi32>, vector<16xi32>], vector<16xf32>,
        %gather3A_255 = tpu.vector_load_idx %arg11[%add3A_99, %add3A_253] : memref<128x128xf32, #tpu.memory_space<vmem>>[vector<16xi32>, vector<16xi32>], vector<16xf32>,
        %mul3A_256 = arith.mulf %gather3A_254, %gather3A_255 : vector<16xf32>
        %add3A_257 = arith.addf %add3A_250, %mul3A_256 : vector<16xf32>
        %add3A_258 = arith.constant 22 : i32
        %add3A_259 = vector.broadcast %add3A_258 : i32 to vector<16xi32>
        %add3A_260 = arith.addi %broadcast_in_dim3A_102, %add3A_259 : vector<16xi32>
        %gather3A_261 = tpu.vector_load_idx %arg10[%add3A_99, %add3A_260] : memref<128x128xf32, #tpu.memory_space<vmem>>[vector<16xi32>, vector<16xi32>], vector<16xf32>,
        %gather3A_262 = tpu.vector_load_idx %arg11[%add3A_99, %add3A_260] : memref<128x128xf32, #tpu.memory_space<vmem>>[vector<16xi32>, vector<16xi32>], vector<16xf32>,
        %mul3A_263 = arith.mulf %gather3A_261, %gather3A_262 : vector<16xf32>
        %add3A_264 = arith.addf %add3A_257, %mul3A_263 : vector<16xf32>
        %add3A_265 = arith.constant 23 : i32
        %add3A_266 = vector.broadcast %add3A_265 : i32 to vector<16xi32>
        %add3A_267 = arith.addi %broadcast_in_dim3A_102, %add3A_266 : vector<16xi32>
        %gather3A_268 = tpu.vector_load_idx %arg10[%add3A_99, %add3A_267] : memref<128x128xf32, #tpu.memory_space<vmem>>[vector<16xi32>, vector<16xi32>], vector<16xf32>,
        %gather3A_269 = tpu.vector_load_idx %arg11[%add3A_99, %add3A_267] : memref<128x128xf32, #tpu.memory_space<vmem>>[vector<16xi32>, vector<16xi32>], vector<16xf32>,
        %mul3A_270 = arith.mulf %gather3A_268, %gather3A_269 : vector<16xf32>
        %add3A_271 = arith.addf %add3A_264, %mul3A_270 : vector<16xf32>
        %add3A_272 = arith.constant 24 : i32
        %add3A_273 = vector.broadcast %add3A_272 : i32 to vector<16xi32>
        %add3A_274 = arith.addi %broadcast_in_dim3A_102, %add3A_273 : vector<16xi32>
        %gather3A_275 = tpu.vector_load_idx %arg10[%add3A_99, %add3A_274] : memref<128x128xf32, #tpu.memory_space<vmem>>[vector<16xi32>, vector<16xi32>], vector<16xf32>,
        %gather3A_276 = tpu.vector_load_idx %arg11[%add3A_99, %add3A_274] : memref<128x128xf32, #tpu.memory_space<vmem>>[vector<16xi32>, vector<16xi32>], vector<16xf32>,
        %mul3A_277 = arith.mulf %gather3A_275, %gather3A_276 : vector<16xf32>
        %add3A_278 = arith.addf %add3A_271, %mul3A_277 : vector<16xf32>
        %add3A_279 = arith.constant 25 : i32
        %add3A_280 = vector.broadcast %add3A_279 : i32 to vector<16xi32>
        %add3A_281 = arith.addi %broadcast_in_dim3A_102, %add3A_280 : vector<16xi32>
        %gather3A_282 = tpu.vector_load_idx %arg10[%add3A_99, %add3A_281] : memref<128x128xf32, #tpu.memory_space<vmem>>[vector<16xi32>, vector<16xi32>], vector<16xf32>,
        %gather3A_283 = tpu.vector_load_idx %arg11[%add3A_99, %add3A_281] : memref<128x128xf32, #tpu.memory_space<vmem>>[vector<16xi32>, vector<16xi32>], vector<16xf32>,
        %mul3A_284 = arith.mulf %gather3A_282, %gather3A_283 : vector<16xf32>
        %add3A_285 = arith.addf %add3A_278, %mul3A_284 : vector<16xf32>
        %add3A_286 = arith.constant 26 : i32
        %add3A_287 = vector.broadcast %add3A_286 : i32 to vector<16xi32>
        %add3A_288 = arith.addi %broadcast_in_dim3A_102, %add3A_287 : vector<16xi32>
        %gather3A_289 = tpu.vector_load_idx %arg10[%add3A_99, %add3A_288] : memref<128x128xf32, #tpu.memory_space<vmem>>[vector<16xi32>, vector<16xi32>], vector<16xf32>,
        %gather3A_290 = tpu.vector_load_idx %arg11[%add3A_99, %add3A_288] : memref<128x128xf32, #tpu.memory_space<vmem>>[vector<16xi32>, vector<16xi32>], vector<16xf32>,
        %mul3A_291 = arith.mulf %gather3A_289, %gather3A_290 : vector<16xf32>
        %add3A_292 = arith.addf %add3A_285, %mul3A_291 : vector<16xf32>
        %add3A_293 = arith.constant 27 : i32
        %add3A_294 = vector.broadcast %add3A_293 : i32 to vector<16xi32>
        %add3A_295 = arith.addi %broadcast_in_dim3A_102, %add3A_294 : vector<16xi32>
        %gather3A_296 = tpu.vector_load_idx %arg10[%add3A_99, %add3A_295] : memref<128x128xf32, #tpu.memory_space<vmem>>[vector<16xi32>, vector<16xi32>], vector<16xf32>,
        %gather3A_297 = tpu.vector_load_idx %arg11[%add3A_99, %add3A_295] : memref<128x128xf32, #tpu.memory_space<vmem>>[vector<16xi32>, vector<16xi32>], vector<16xf32>,
        %mul3A_298 = arith.mulf %gather3A_296, %gather3A_297 : vector<16xf32>
        %add3A_299 = arith.addf %add3A_292, %mul3A_298 : vector<16xf32>
        %add3A_300 = arith.constant 28 : i32
        %add3A_301 = vector.broadcast %add3A_300 : i32 to vector<16xi32>
        %add3A_302 = arith.addi %broadcast_in_dim3A_102, %add3A_301 : vector<16xi32>
        %gather3A_303 = tpu.vector_load_idx %arg10[%add3A_99, %add3A_302] : memref<128x128xf32, #tpu.memory_space<vmem>>[vector<16xi32>, vector<16xi32>], vector<16xf32>,
        %gather3A_304 = tpu.vector_load_idx %arg11[%add3A_99, %add3A_302] : memref<128x128xf32, #tpu.memory_space<vmem>>[vector<16xi32>, vector<16xi32>], vector<16xf32>,
        %mul3A_305 = arith.mulf %gather3A_303, %gather3A_304 : vector<16xf32>
        %add3A_306 = arith.addf %add3A_299, %mul3A_305 : vector<16xf32>
        %add3A_307 = arith.constant 29 : i32
        %add3A_308 = vector.broadcast %add3A_307 : i32 to vector<16xi32>
        %add3A_309 = arith.addi %broadcast_in_dim3A_102, %add3A_308 : vector<16xi32>
        %gather3A_310 = tpu.vector_load_idx %arg10[%add3A_99, %add3A_309] : memref<128x128xf32, #tpu.memory_space<vmem>>[vector<16xi32>, vector<16xi32>], vector<16xf32>,
        %gather3A_311 = tpu.vector_load_idx %arg11[%add3A_99, %add3A_309] : memref<128x128xf32, #tpu.memory_space<vmem>>[vector<16xi32>, vector<16xi32>], vector<16xf32>,
        %mul3A_312 = arith.mulf %gather3A_310, %gather3A_311 : vector<16xf32>
        %add3A_313 = arith.addf %add3A_306, %mul3A_312 : vector<16xf32>
        %add3A_314 = arith.constant 30 : i32
        %add3A_315 = vector.broadcast %add3A_314 : i32 to vector<16xi32>
        %add3A_316 = arith.addi %broadcast_in_dim3A_102, %add3A_315 : vector<16xi32>
        %gather3A_317 = tpu.vector_load_idx %arg10[%add3A_99, %add3A_316] : memref<128x128xf32, #tpu.memory_space<vmem>>[vector<16xi32>, vector<16xi32>], vector<16xf32>,
        %gather3A_318 = tpu.vector_load_idx %arg11[%add3A_99, %add3A_316] : memref<128x128xf32, #tpu.memory_space<vmem>>[vector<16xi32>, vector<16xi32>], vector<16xf32>,
        %mul3A_319 = arith.mulf %gather3A_317, %gather3A_318 : vector<16xf32>
        %add3A_320 = arith.addf %add3A_313, %mul3A_319 : vector<16xf32>
        %add3A_321 = arith.constant 31 : i32
        %add3A_322 = vector.broadcast %add3A_321 : i32 to vector<16xi32>
        %add3A_323 = arith.addi %broadcast_in_dim3A_102, %add3A_322 : vector<16xi32>
        %gather3A_324 = tpu.vector_load_idx %arg10[%add3A_99, %add3A_323] : memref<128x128xf32, #tpu.memory_space<vmem>>[vector<16xi32>, vector<16xi32>], vector<16xf32>,
        %gather3A_325 = tpu.vector_load_idx %arg11[%add3A_99, %add3A_323] : memref<128x128xf32, #tpu.memory_space<vmem>>[vector<16xi32>, vector<16xi32>], vector<16xf32>,
        %mul3A_326 = arith.mulf %gather3A_324, %gather3A_325 : vector<16xf32>
        %add3A_327 = arith.addf %add3A_320, %mul3A_326 : vector<16xf32>
        %mul3A_328 = arith.constant 0.176776692 : f32
        %mul3A_329 = vector.broadcast %mul3A_328 : f32 to vector<16xf32>
        %mul3A_330 = arith.mulf %add3A_327, %mul3A_329 : vector<16xf32>
        %mul3A_331 = arith.constant 4 : i32
        %mul3A_332 = vector.broadcast %mul3A_331 : i32 to vector<16xi32>
        %mul3A_333 = arith.muli %add3A_99, %mul3A_332 : vector<16xi32>
        %broadcast_in_dim3A_334 = vector.broadcast %select_n3A_95 : i32 to vector<16xi32>
        %add3A_335 = arith.addi %mul3A_333, %broadcast_in_dim3A_334 : vector<16xi32>
        tpu.vector_store_idx %arg12[%add3A_335], %mul3A_330 : memref<512xf32, #tpu.memory_space<vmem>>[vector<16xi32>], vector<16xf32>,
        %eq3A_336 = arith.constant 0 : i32
        %eq3A_337 = arith.cmpi eq, %select_n3A_95, %eq3A_336 : i32
        %max3A = arith.maximumf %scan3A_59, %mul3A_330 : vector<16xf32>
        %select_n3A_338 = arith.select %eq3A_337, %max3A, %scan3A_59 : vector<16xf32>
        %eq3A_339 = arith.constant 1 : i32
        %eq3A_340 = arith.cmpi eq, %select_n3A_95, %eq3A_339 : i32
        %max3A_341 = arith.maximumf %scan3A_60, %mul3A_330 : vector<16xf32>
        %select_n3A_342 = arith.select %eq3A_340, %max3A_341, %scan3A_60 : vector<16xf32>
        %eq3A_343 = arith.constant 2 : i32
        %eq3A_344 = arith.cmpi eq, %select_n3A_95, %eq3A_343 : i32
        %max3A_345 = arith.maximumf %scan3A_61, %mul3A_330 : vector<16xf32>
        %select_n3A_346 = arith.select %eq3A_344, %max3A_345, %scan3A_61 : vector<16xf32>
        %eq3A_347 = arith.constant 3 : i32
        %eq3A_348 = arith.cmpi eq, %select_n3A_95, %eq3A_347 : i32
        %max3A_349 = arith.maximumf %scan3A_62, %mul3A_330 : vector<16xf32>
        %select_n3A_350 = arith.select %eq3A_348, %max3A_349, %scan3A_62 : vector<16xf32>
        scf.yield %select_n3A_338, %select_n3A_342, %select_n3A_346, %select_n3A_350 : vector<16xf32>, vector<16xf32>, vector<16xf32>, vector<16xf32>
      }
      %scan3A_55 = arith.constant 32 : i32
      %mul3A_56 = arith.constant 4 : i32
      %mul3A_57 = arith.muli %mul3A_40, %mul3A_56 : i32
      "tpu.region"() ({
        %run_scoped3A = tpu.sem_alloc : memref<!tpu.dma_semaphore, #tpu.memory_space<semaphore_mem>>
        %dma_start3A_58 = tpu.memref_slice %arg6[%mul3A_57] : memref<3200000xf32, #tpu.memory_space<hbm>> -> memref<512xf32, #tpu.memory_space<hbm>>
        %dma_start3A_59 = tpu.memref_slice %arg6[%mul3A_57] : memref<3200000xf32, #tpu.memory_space<hbm>> -> memref<512xf32, #tpu.memory_space<hbm>>
        tpu.enqueue_dma source(%arg12 : memref<512xf32, #tpu.memory_space<vmem>>) target(%dma_start3A_59 : memref<512xf32, #tpu.memory_space<hbm>>) target_semaphore(%run_scoped3A : memref<!tpu.dma_semaphore, #tpu.memory_space<semaphore_mem>>)
        %dma_wait3A_60 = tpu.memref_slice %arg6[%mul3A_57] : memref<3200000xf32, #tpu.memory_space<hbm>> -> memref<512xf32, #tpu.memory_space<hbm>>
        %dma_wait3A_61 = tpu.memref_slice %arg6[%mul3A_57] : memref<3200000xf32, #tpu.memory_space<hbm>> -> memref<512xf32, #tpu.memory_space<hbm>>
        tpu.wait_dma2 semaphore(%run_scoped3A : memref<!tpu.dma_semaphore, #tpu.memory_space<semaphore_mem>>) src(%arg12 : memref<512xf32, #tpu.memory_space<vmem>>) dst(%dma_wait3A_61 : memref<512xf32, #tpu.memory_space<hbm>>)
        tpu.yield
      }) : () -> ()
      scf.yield %scan3A_54#0, %scan3A_54#1, %scan3A_54#2, %scan3A_54#3 : vector<16xf32>, vector<16xf32>, vector<16xf32>, vector<16xf32>
    }
    %while3A_14 = arith.constant 1 : i32
    %while3A_15:4 = scf.for %while3A_31 = %while3A_11 to %while3A_7 step %while3A_14 iter_args(%while3A_32 = %while3A_13#0, %while3A_33 = %while3A_13#1, %while3A_34 = %while3A_13#2, %while3A_35 = %while3A_13#3) -> (vector<16xf32>, vector<16xf32>, vector<16xf32>, vector<16xf32>)  : i32 {
      %mul3A_36 = arith.constant 32 : i32
      %mul3A_37 = arith.muli %mul3A_36, %while3A_31 : i32
      %add3A_38 = arith.addi %add3A, %mul3A_37 : i32
      %mul3A_39 = arith.constant 128 : i32
      %mul3A_40 = arith.muli %add3A_38, %mul3A_39 : i32
      "tpu.region"() ({
        %run_scoped3A = tpu.sem_alloc : memref<!tpu.dma_semaphore, #tpu.memory_space<semaphore_mem>>
        %dma_start3A_58 = tpu.memref_slice %arg4[%mul3A_40] : memref<800000xi32, #tpu.memory_space<hbm>> -> memref<128xi32, #tpu.memory_space<hbm>>
        %dma_start3A_59 = tpu.memref_slice %arg4[%mul3A_40] : memref<800000xi32, #tpu.memory_space<hbm>> -> memref<128xi32, #tpu.memory_space<hbm>>
        tpu.enqueue_dma source(%dma_start3A_59 : memref<128xi32, #tpu.memory_space<hbm>>) target(%arg8 : memref<128xi32, #tpu.memory_space<vmem>>) target_semaphore(%run_scoped3A : memref<!tpu.dma_semaphore, #tpu.memory_space<semaphore_mem>>)
        %dma_wait3A_60 = tpu.memref_slice %arg4[%mul3A_40] : memref<800000xi32, #tpu.memory_space<hbm>> -> memref<128xi32, #tpu.memory_space<hbm>>
        %dma_wait3A_61 = tpu.memref_slice %arg4[%mul3A_40] : memref<800000xi32, #tpu.memory_space<hbm>> -> memref<128xi32, #tpu.memory_space<hbm>>
        tpu.wait_dma2 semaphore(%run_scoped3A : memref<!tpu.dma_semaphore, #tpu.memory_space<semaphore_mem>>) src(%dma_wait3A_61 : memref<128xi32, #tpu.memory_space<hbm>>) dst(%arg8 : memref<128xi32, #tpu.memory_space<vmem>>)
        tpu.yield
      }) : () -> ()
      "tpu.region"() ({
        %run_scoped3A = tpu.sem_alloc : memref<!tpu.dma_semaphore, #tpu.memory_space<semaphore_mem>>
        %dma_start3A_58 = tpu.memref_slice %arg5[%mul3A_40] : memref<800000xi32, #tpu.memory_space<hbm>> -> memref<128xi32, #tpu.memory_space<hbm>>
        %dma_start3A_59 = tpu.memref_slice %arg5[%mul3A_40] : memref<800000xi32, #tpu.memory_space<hbm>> -> memref<128xi32, #tpu.memory_space<hbm>>
        tpu.enqueue_dma source(%dma_start3A_59 : memref<128xi32, #tpu.memory_space<hbm>>) target(%arg9 : memref<128xi32, #tpu.memory_space<vmem>>) target_semaphore(%run_scoped3A : memref<!tpu.dma_semaphore, #tpu.memory_space<semaphore_mem>>)
        %dma_wait3A_60 = tpu.memref_slice %arg5[%mul3A_40] : memref<800000xi32, #tpu.memory_space<hbm>> -> memref<128xi32, #tpu.memory_space<hbm>>
        %dma_wait3A_61 = tpu.memref_slice %arg5[%mul3A_40] : memref<800000xi32, #tpu.memory_space<hbm>> -> memref<128xi32, #tpu.memory_space<hbm>>
        tpu.wait_dma2 semaphore(%run_scoped3A : memref<!tpu.dma_semaphore, #tpu.memory_space<semaphore_mem>>) src(%dma_wait3A_61 : memref<128xi32, #tpu.memory_space<hbm>>) dst(%arg9 : memref<128xi32, #tpu.memory_space<vmem>>)
        tpu.yield
      }) : () -> ()
      %dma_start3A = arith.constant 0 : i32
      %dma_start3A_41 = arith.constant 0 : i32
      %dma_start3A_42 = tpu.memref_slice %arg2[%dma_start3A, %dma_start3A_41] : memref<50000x128xf32, #tpu.memory_space<hbm>> -> memref<50000x128xf32, #tpu.memory_space<hbm>>
      tpu.enqueue_indirect_dma source(%dma_start3A_42 : memref<50000x128xf32, #tpu.memory_space<hbm>>) target(%arg10 : memref<128x128xf32, #tpu.memory_space<vmem>>) offsets(%arg9 : memref<128xi32, #tpu.memory_space<vmem>>) semaphore(%arg14 : memref<!tpu.dma_semaphore, #tpu.memory_space<semaphore_mem>>)
      %dma_start3A_43 = arith.constant 0 : i32
      %dma_start3A_44 = arith.constant 0 : i32
      %dma_start3A_45 = tpu.memref_slice %arg3[%dma_start3A_43, %dma_start3A_44] : memref<50000x128xf32, #tpu.memory_space<hbm>> -> memref<50000x128xf32, #tpu.memory_space<hbm>>
      tpu.enqueue_indirect_dma source(%dma_start3A_45 : memref<50000x128xf32, #tpu.memory_space<hbm>>) target(%arg11 : memref<128x128xf32, #tpu.memory_space<vmem>>) offsets(%arg8 : memref<128xi32, #tpu.memory_space<vmem>>) semaphore(%arg14 : memref<!tpu.dma_semaphore, #tpu.memory_space<semaphore_mem>>)
      %dma_wait3A = arith.constant 0 : i32
      %dma_wait3A_46 = arith.constant 0 : i32
      %dma_wait3A_47 = tpu.memref_slice %arg2[%dma_wait3A, %dma_wait3A_46] : memref<50000x128xf32, #tpu.memory_space<hbm>> -> memref<50000x128xf32, #tpu.memory_space<hbm>>
      tpu.wait_indirect_dma semaphore(%arg14 : memref<!tpu.dma_semaphore, #tpu.memory_space<semaphore_mem>>) src(%dma_wait3A_47 : memref<50000x128xf32, #tpu.memory_space<hbm>>) dst(%arg10 : memref<128x128xf32, #tpu.memory_space<vmem>>)
      %dma_wait3A_48 = arith.constant 0 : i32
      %dma_wait3A_49 = arith.constant 0 : i32
      %dma_wait3A_50 = tpu.memref_slice %arg3[%dma_wait3A_48, %dma_wait3A_49] : memref<50000x128xf32, #tpu.memory_space<hbm>> -> memref<50000x128xf32, #tpu.memory_space<hbm>>
      tpu.wait_indirect_dma semaphore(%arg14 : memref<!tpu.dma_semaphore, #tpu.memory_space<semaphore_mem>>) src(%dma_wait3A_50 : memref<50000x128xf32, #tpu.memory_space<hbm>>) dst(%arg11 : memref<128x128xf32, #tpu.memory_space<vmem>>)
      %scan3A = arith.constant 0 : i32
      %scan3A_51 = arith.constant 32 : i32
      %scan3A_52 = arith.addi %scan3A, %scan3A_51 : i32
      %scan3A_53 = arith.constant 1 : i32
      %scan3A_54:4 = scf.for %scan3A_58 = %scan3A to %scan3A_52 step %scan3A_53 iter_args(%scan3A_59 = %while3A_32, %scan3A_60 = %while3A_33, %scan3A_61 = %while3A_34, %scan3A_62 = %while3A_35) -> (vector<16xf32>, vector<16xf32>, vector<16xf32>, vector<16xf32>)  : i32 {
        %jit3A_63 = arith.constant 4 : i32
        %div3A = arith.divsi %scan3A_58, %jit3A_63 : i32
        %sign3A = arith.constant 0 : i32
        %sign3A_64 = arith.cmpi sgt, %scan3A_58, %sign3A : i32
        %sign3A_65 = arith.extui %sign3A_64 : i1 to i32
        %sign3A_66 = arith.constant 0 : i32
        %sign3A_67 = arith.cmpi slt, %scan3A_58, %sign3A_66 : i32
        %sign3A_68 = arith.extui %sign3A_67 : i1 to i32
        %sign3A_69 = arith.subi %sign3A_65, %sign3A_68 : i32
        %sign3A_70 = arith.constant 0 : i32
        %sign3A_71 = arith.cmpi sgt, %jit3A_63, %sign3A_70 : i32
        %sign3A_72 = arith.extui %sign3A_71 : i1 to i32
        %sign3A_73 = arith.constant 0 : i32
        %sign3A_74 = arith.cmpi slt, %jit3A_63, %sign3A_73 : i32
        %sign3A_75 = arith.extui %sign3A_74 : i1 to i32
        %sign3A_76 = arith.subi %sign3A_72, %sign3A_75 : i32
        %ne3A = arith.cmpi ne, %sign3A_69, %sign3A_76 : i32
        %rem3A = arith.remsi %scan3A_58, %jit3A_63 : i32
        %ne3A_77 = arith.constant 0 : i32
        %ne3A_78 = arith.cmpi ne, %rem3A, %ne3A_77 : i32
        %and3A = arith.andi %ne3A, %ne3A_78 : i1
        %sub3A = arith.constant 1 : i32
        %sub3A_79 = arith.subi %div3A, %sub3A : i32
        %select_n3A_80 = arith.select %and3A, %sub3A_79, %div3A : i32
        %jit3A_81 = arith.constant 4 : i32
        %eq3A = arith.constant 0 : i32
        %eq3A_82 = arith.cmpi eq, %jit3A_81, %eq3A : i32
        %jit3A_83 = arith.constant 1 : i32
        %select_n3A_84 = arith.select %eq3A_82, %jit3A_83, %jit3A_81 : i32
        %rem3A_85 = arith.remsi %scan3A_58, %select_n3A_84 : i32
        %ne3A_86 = arith.constant 0 : i32
        %ne3A_87 = arith.cmpi ne, %rem3A_85, %ne3A_86 : i32
        %lt3A_88 = arith.constant 0 : i32
        %lt3A_89 = arith.cmpi slt, %rem3A_85, %lt3A_88 : i32
        %lt3A_90 = arith.constant 0 : i32
        %lt3A_91 = arith.cmpi slt, %select_n3A_84, %lt3A_90 : i32
        %ne3A_92 = arith.xori %lt3A_89, %lt3A_91 : i1
        %and3A_93 = arith.andi %ne3A_92, %ne3A_87 : i1
        %add3A_94 = arith.addi %rem3A_85, %select_n3A_84 : i32
        %select_n3A_95 = arith.select %and3A_93, %add3A_94, %rem3A_85 : i32
        %mul3A_96 = arith.constant 16 : i32
        %mul3A_97 = arith.muli %select_n3A_80, %mul3A_96 : i32
        %add3A_98 = vector.broadcast %mul3A_97 : i32 to vector<16xi32>
        %add3A_99 = arith.addi %add3A_98, %iota3A : vector<16xi32>
        %mul3A_100 = arith.constant 32 : i32
        %mul3A_101 = arith.muli %select_n3A_95, %mul3A_100 : i32
        %broadcast_in_dim3A_102 = vector.broadcast %mul3A_101 : i32 to vector<16xi32>
        %broadcast_in_dim3A_103 = arith.constant 0.000000e+00 : f32
        %broadcast_in_dim3A_104 = vector.broadcast %broadcast_in_dim3A_103 : f32 to vector<16xf32>
        %add3A_105 = arith.constant 0 : i32
        %add3A_106 = vector.broadcast %add3A_105 : i32 to vector<16xi32>
        %add3A_107 = arith.addi %broadcast_in_dim3A_102, %add3A_106 : vector<16xi32>
        %gather3A = tpu.vector_load_idx %arg10[%add3A_99, %add3A_107] : memref<128x128xf32, #tpu.memory_space<vmem>>[vector<16xi32>, vector<16xi32>], vector<16xf32>,
        %gather3A_108 = tpu.vector_load_idx %arg11[%add3A_99, %add3A_107] : memref<128x128xf32, #tpu.memory_space<vmem>>[vector<16xi32>, vector<16xi32>], vector<16xf32>,
        %mul3A_109 = arith.mulf %gather3A, %gather3A_108 : vector<16xf32>
        %add3A_110 = arith.addf %broadcast_in_dim3A_104, %mul3A_109 : vector<16xf32>
        %add3A_111 = arith.constant 1 : i32
        %add3A_112 = vector.broadcast %add3A_111 : i32 to vector<16xi32>
        %add3A_113 = arith.addi %broadcast_in_dim3A_102, %add3A_112 : vector<16xi32>
        %gather3A_114 = tpu.vector_load_idx %arg10[%add3A_99, %add3A_113] : memref<128x128xf32, #tpu.memory_space<vmem>>[vector<16xi32>, vector<16xi32>], vector<16xf32>,
        %gather3A_115 = tpu.vector_load_idx %arg11[%add3A_99, %add3A_113] : memref<128x128xf32, #tpu.memory_space<vmem>>[vector<16xi32>, vector<16xi32>], vector<16xf32>,
        %mul3A_116 = arith.mulf %gather3A_114, %gather3A_115 : vector<16xf32>
        %add3A_117 = arith.addf %add3A_110, %mul3A_116 : vector<16xf32>
        %add3A_118 = arith.constant 2 : i32
        %add3A_119 = vector.broadcast %add3A_118 : i32 to vector<16xi32>
        %add3A_120 = arith.addi %broadcast_in_dim3A_102, %add3A_119 : vector<16xi32>
        %gather3A_121 = tpu.vector_load_idx %arg10[%add3A_99, %add3A_120] : memref<128x128xf32, #tpu.memory_space<vmem>>[vector<16xi32>, vector<16xi32>], vector<16xf32>,
        %gather3A_122 = tpu.vector_load_idx %arg11[%add3A_99, %add3A_120] : memref<128x128xf32, #tpu.memory_space<vmem>>[vector<16xi32>, vector<16xi32>], vector<16xf32>,
        %mul3A_123 = arith.mulf %gather3A_121, %gather3A_122 : vector<16xf32>
        %add3A_124 = arith.addf %add3A_117, %mul3A_123 : vector<16xf32>
        %add3A_125 = arith.constant 3 : i32
        %add3A_126 = vector.broadcast %add3A_125 : i32 to vector<16xi32>
        %add3A_127 = arith.addi %broadcast_in_dim3A_102, %add3A_126 : vector<16xi32>
        %gather3A_128 = tpu.vector_load_idx %arg10[%add3A_99, %add3A_127] : memref<128x128xf32, #tpu.memory_space<vmem>>[vector<16xi32>, vector<16xi32>], vector<16xf32>,
        %gather3A_129 = tpu.vector_load_idx %arg11[%add3A_99, %add3A_127] : memref<128x128xf32, #tpu.memory_space<vmem>>[vector<16xi32>, vector<16xi32>], vector<16xf32>,
        %mul3A_130 = arith.mulf %gather3A_128, %gather3A_129 : vector<16xf32>
        %add3A_131 = arith.addf %add3A_124, %mul3A_130 : vector<16xf32>
        %add3A_132 = arith.constant 4 : i32
        %add3A_133 = vector.broadcast %add3A_132 : i32 to vector<16xi32>
        %add3A_134 = arith.addi %broadcast_in_dim3A_102, %add3A_133 : vector<16xi32>
        %gather3A_135 = tpu.vector_load_idx %arg10[%add3A_99, %add3A_134] : memref<128x128xf32, #tpu.memory_space<vmem>>[vector<16xi32>, vector<16xi32>], vector<16xf32>,
        %gather3A_136 = tpu.vector_load_idx %arg11[%add3A_99, %add3A_134] : memref<128x128xf32, #tpu.memory_space<vmem>>[vector<16xi32>, vector<16xi32>], vector<16xf32>,
        %mul3A_137 = arith.mulf %gather3A_135, %gather3A_136 : vector<16xf32>
        %add3A_138 = arith.addf %add3A_131, %mul3A_137 : vector<16xf32>
        %add3A_139 = arith.constant 5 : i32
        %add3A_140 = vector.broadcast %add3A_139 : i32 to vector<16xi32>
        %add3A_141 = arith.addi %broadcast_in_dim3A_102, %add3A_140 : vector<16xi32>
        %gather3A_142 = tpu.vector_load_idx %arg10[%add3A_99, %add3A_141] : memref<128x128xf32, #tpu.memory_space<vmem>>[vector<16xi32>, vector<16xi32>], vector<16xf32>,
        %gather3A_143 = tpu.vector_load_idx %arg11[%add3A_99, %add3A_141] : memref<128x128xf32, #tpu.memory_space<vmem>>[vector<16xi32>, vector<16xi32>], vector<16xf32>,
        %mul3A_144 = arith.mulf %gather3A_142, %gather3A_143 : vector<16xf32>
        %add3A_145 = arith.addf %add3A_138, %mul3A_144 : vector<16xf32>
        %add3A_146 = arith.constant 6 : i32
        %add3A_147 = vector.broadcast %add3A_146 : i32 to vector<16xi32>
        %add3A_148 = arith.addi %broadcast_in_dim3A_102, %add3A_147 : vector<16xi32>
        %gather3A_149 = tpu.vector_load_idx %arg10[%add3A_99, %add3A_148] : memref<128x128xf32, #tpu.memory_space<vmem>>[vector<16xi32>, vector<16xi32>], vector<16xf32>,
        %gather3A_150 = tpu.vector_load_idx %arg11[%add3A_99, %add3A_148] : memref<128x128xf32, #tpu.memory_space<vmem>>[vector<16xi32>, vector<16xi32>], vector<16xf32>,
        %mul3A_151 = arith.mulf %gather3A_149, %gather3A_150 : vector<16xf32>
        %add3A_152 = arith.addf %add3A_145, %mul3A_151 : vector<16xf32>
        %add3A_153 = arith.constant 7 : i32
        %add3A_154 = vector.broadcast %add3A_153 : i32 to vector<16xi32>
        %add3A_155 = arith.addi %broadcast_in_dim3A_102, %add3A_154 : vector<16xi32>
        %gather3A_156 = tpu.vector_load_idx %arg10[%add3A_99, %add3A_155] : memref<128x128xf32, #tpu.memory_space<vmem>>[vector<16xi32>, vector<16xi32>], vector<16xf32>,
        %gather3A_157 = tpu.vector_load_idx %arg11[%add3A_99, %add3A_155] : memref<128x128xf32, #tpu.memory_space<vmem>>[vector<16xi32>, vector<16xi32>], vector<16xf32>,
        %mul3A_158 = arith.mulf %gather3A_156, %gather3A_157 : vector<16xf32>
        %add3A_159 = arith.addf %add3A_152, %mul3A_158 : vector<16xf32>
        %add3A_160 = arith.constant 8 : i32
        %add3A_161 = vector.broadcast %add3A_160 : i32 to vector<16xi32>
        %add3A_162 = arith.addi %broadcast_in_dim3A_102, %add3A_161 : vector<16xi32>
        %gather3A_163 = tpu.vector_load_idx %arg10[%add3A_99, %add3A_162] : memref<128x128xf32, #tpu.memory_space<vmem>>[vector<16xi32>, vector<16xi32>], vector<16xf32>,
        %gather3A_164 = tpu.vector_load_idx %arg11[%add3A_99, %add3A_162] : memref<128x128xf32, #tpu.memory_space<vmem>>[vector<16xi32>, vector<16xi32>], vector<16xf32>,
        %mul3A_165 = arith.mulf %gather3A_163, %gather3A_164 : vector<16xf32>
        %add3A_166 = arith.addf %add3A_159, %mul3A_165 : vector<16xf32>
        %add3A_167 = arith.constant 9 : i32
        %add3A_168 = vector.broadcast %add3A_167 : i32 to vector<16xi32>
        %add3A_169 = arith.addi %broadcast_in_dim3A_102, %add3A_168 : vector<16xi32>
        %gather3A_170 = tpu.vector_load_idx %arg10[%add3A_99, %add3A_169] : memref<128x128xf32, #tpu.memory_space<vmem>>[vector<16xi32>, vector<16xi32>], vector<16xf32>,
        %gather3A_171 = tpu.vector_load_idx %arg11[%add3A_99, %add3A_169] : memref<128x128xf32, #tpu.memory_space<vmem>>[vector<16xi32>, vector<16xi32>], vector<16xf32>,
        %mul3A_172 = arith.mulf %gather3A_170, %gather3A_171 : vector<16xf32>
        %add3A_173 = arith.addf %add3A_166, %mul3A_172 : vector<16xf32>
        %add3A_174 = arith.constant 10 : i32
        %add3A_175 = vector.broadcast %add3A_174 : i32 to vector<16xi32>
        %add3A_176 = arith.addi %broadcast_in_dim3A_102, %add3A_175 : vector<16xi32>
        %gather3A_177 = tpu.vector_load_idx %arg10[%add3A_99, %add3A_176] : memref<128x128xf32, #tpu.memory_space<vmem>>[vector<16xi32>, vector<16xi32>], vector<16xf32>,
        %gather3A_178 = tpu.vector_load_idx %arg11[%add3A_99, %add3A_176] : memref<128x128xf32, #tpu.memory_space<vmem>>[vector<16xi32>, vector<16xi32>], vector<16xf32>,
        %mul3A_179 = arith.mulf %gather3A_177, %gather3A_178 : vector<16xf32>
        %add3A_180 = arith.addf %add3A_173, %mul3A_179 : vector<16xf32>
        %add3A_181 = arith.constant 11 : i32
        %add3A_182 = vector.broadcast %add3A_181 : i32 to vector<16xi32>
        %add3A_183 = arith.addi %broadcast_in_dim3A_102, %add3A_182 : vector<16xi32>
        %gather3A_184 = tpu.vector_load_idx %arg10[%add3A_99, %add3A_183] : memref<128x128xf32, #tpu.memory_space<vmem>>[vector<16xi32>, vector<16xi32>], vector<16xf32>,
        %gather3A_185 = tpu.vector_load_idx %arg11[%add3A_99, %add3A_183] : memref<128x128xf32, #tpu.memory_space<vmem>>[vector<16xi32>, vector<16xi32>], vector<16xf32>,
        %mul3A_186 = arith.mulf %gather3A_184, %gather3A_185 : vector<16xf32>
        %add3A_187 = arith.addf %add3A_180, %mul3A_186 : vector<16xf32>
        %add3A_188 = arith.constant 12 : i32
        %add3A_189 = vector.broadcast %add3A_188 : i32 to vector<16xi32>
        %add3A_190 = arith.addi %broadcast_in_dim3A_102, %add3A_189 : vector<16xi32>
        %gather3A_191 = tpu.vector_load_idx %arg10[%add3A_99, %add3A_190] : memref<128x128xf32, #tpu.memory_space<vmem>>[vector<16xi32>, vector<16xi32>], vector<16xf32>,
        %gather3A_192 = tpu.vector_load_idx %arg11[%add3A_99, %add3A_190] : memref<128x128xf32, #tpu.memory_space<vmem>>[vector<16xi32>, vector<16xi32>], vector<16xf32>,
        %mul3A_193 = arith.mulf %gather3A_191, %gather3A_192 : vector<16xf32>
        %add3A_194 = arith.addf %add3A_187, %mul3A_193 : vector<16xf32>
        %add3A_195 = arith.constant 13 : i32
        %add3A_196 = vector.broadcast %add3A_195 : i32 to vector<16xi32>
        %add3A_197 = arith.addi %broadcast_in_dim3A_102, %add3A_196 : vector<16xi32>
        %gather3A_198 = tpu.vector_load_idx %arg10[%add3A_99, %add3A_197] : memref<128x128xf32, #tpu.memory_space<vmem>>[vector<16xi32>, vector<16xi32>], vector<16xf32>,
        %gather3A_199 = tpu.vector_load_idx %arg11[%add3A_99, %add3A_197] : memref<128x128xf32, #tpu.memory_space<vmem>>[vector<16xi32>, vector<16xi32>], vector<16xf32>,
        %mul3A_200 = arith.mulf %gather3A_198, %gather3A_199 : vector<16xf32>
        %add3A_201 = arith.addf %add3A_194, %mul3A_200 : vector<16xf32>
        %add3A_202 = arith.constant 14 : i32
        %add3A_203 = vector.broadcast %add3A_202 : i32 to vector<16xi32>
        %add3A_204 = arith.addi %broadcast_in_dim3A_102, %add3A_203 : vector<16xi32>
        %gather3A_205 = tpu.vector_load_idx %arg10[%add3A_99, %add3A_204] : memref<128x128xf32, #tpu.memory_space<vmem>>[vector<16xi32>, vector<16xi32>], vector<16xf32>,
        %gather3A_206 = tpu.vector_load_idx %arg11[%add3A_99, %add3A_204] : memref<128x128xf32, #tpu.memory_space<vmem>>[vector<16xi32>, vector<16xi32>], vector<16xf32>,
        %mul3A_207 = arith.mulf %gather3A_205, %gather3A_206 : vector<16xf32>
        %add3A_208 = arith.addf %add3A_201, %mul3A_207 : vector<16xf32>
        %add3A_209 = arith.constant 15 : i32
        %add3A_210 = vector.broadcast %add3A_209 : i32 to vector<16xi32>
        %add3A_211 = arith.addi %broadcast_in_dim3A_102, %add3A_210 : vector<16xi32>
        %gather3A_212 = tpu.vector_load_idx %arg10[%add3A_99, %add3A_211] : memref<128x128xf32, #tpu.memory_space<vmem>>[vector<16xi32>, vector<16xi32>], vector<16xf32>,
        %gather3A_213 = tpu.vector_load_idx %arg11[%add3A_99, %add3A_211] : memref<128x128xf32, #tpu.memory_space<vmem>>[vector<16xi32>, vector<16xi32>], vector<16xf32>,
        %mul3A_214 = arith.mulf %gather3A_212, %gather3A_213 : vector<16xf32>
        %add3A_215 = arith.addf %add3A_208, %mul3A_214 : vector<16xf32>
        %add3A_216 = arith.constant 16 : i32
        %add3A_217 = vector.broadcast %add3A_216 : i32 to vector<16xi32>
        %add3A_218 = arith.addi %broadcast_in_dim3A_102, %add3A_217 : vector<16xi32>
        %gather3A_219 = tpu.vector_load_idx %arg10[%add3A_99, %add3A_218] : memref<128x128xf32, #tpu.memory_space<vmem>>[vector<16xi32>, vector<16xi32>], vector<16xf32>,
        %gather3A_220 = tpu.vector_load_idx %arg11[%add3A_99, %add3A_218] : memref<128x128xf32, #tpu.memory_space<vmem>>[vector<16xi32>, vector<16xi32>], vector<16xf32>,
        %mul3A_221 = arith.mulf %gather3A_219, %gather3A_220 : vector<16xf32>
        %add3A_222 = arith.addf %add3A_215, %mul3A_221 : vector<16xf32>
        %add3A_223 = arith.constant 17 : i32
        %add3A_224 = vector.broadcast %add3A_223 : i32 to vector<16xi32>
        %add3A_225 = arith.addi %broadcast_in_dim3A_102, %add3A_224 : vector<16xi32>
        %gather3A_226 = tpu.vector_load_idx %arg10[%add3A_99, %add3A_225] : memref<128x128xf32, #tpu.memory_space<vmem>>[vector<16xi32>, vector<16xi32>], vector<16xf32>,
        %gather3A_227 = tpu.vector_load_idx %arg11[%add3A_99, %add3A_225] : memref<128x128xf32, #tpu.memory_space<vmem>>[vector<16xi32>, vector<16xi32>], vector<16xf32>,
        %mul3A_228 = arith.mulf %gather3A_226, %gather3A_227 : vector<16xf32>
        %add3A_229 = arith.addf %add3A_222, %mul3A_228 : vector<16xf32>
        %add3A_230 = arith.constant 18 : i32
        %add3A_231 = vector.broadcast %add3A_230 : i32 to vector<16xi32>
        %add3A_232 = arith.addi %broadcast_in_dim3A_102, %add3A_231 : vector<16xi32>
        %gather3A_233 = tpu.vector_load_idx %arg10[%add3A_99, %add3A_232] : memref<128x128xf32, #tpu.memory_space<vmem>>[vector<16xi32>, vector<16xi32>], vector<16xf32>,
        %gather3A_234 = tpu.vector_load_idx %arg11[%add3A_99, %add3A_232] : memref<128x128xf32, #tpu.memory_space<vmem>>[vector<16xi32>, vector<16xi32>], vector<16xf32>,
        %mul3A_235 = arith.mulf %gather3A_233, %gather3A_234 : vector<16xf32>
        %add3A_236 = arith.addf %add3A_229, %mul3A_235 : vector<16xf32>
        %add3A_237 = arith.constant 19 : i32
        %add3A_238 = vector.broadcast %add3A_237 : i32 to vector<16xi32>
        %add3A_239 = arith.addi %broadcast_in_dim3A_102, %add3A_238 : vector<16xi32>
        %gather3A_240 = tpu.vector_load_idx %arg10[%add3A_99, %add3A_239] : memref<128x128xf32, #tpu.memory_space<vmem>>[vector<16xi32>, vector<16xi32>], vector<16xf32>,
        %gather3A_241 = tpu.vector_load_idx %arg11[%add3A_99, %add3A_239] : memref<128x128xf32, #tpu.memory_space<vmem>>[vector<16xi32>, vector<16xi32>], vector<16xf32>,
        %mul3A_242 = arith.mulf %gather3A_240, %gather3A_241 : vector<16xf32>
        %add3A_243 = arith.addf %add3A_236, %mul3A_242 : vector<16xf32>
        %add3A_244 = arith.constant 20 : i32
        %add3A_245 = vector.broadcast %add3A_244 : i32 to vector<16xi32>
        %add3A_246 = arith.addi %broadcast_in_dim3A_102, %add3A_245 : vector<16xi32>
        %gather3A_247 = tpu.vector_load_idx %arg10[%add3A_99, %add3A_246] : memref<128x128xf32, #tpu.memory_space<vmem>>[vector<16xi32>, vector<16xi32>], vector<16xf32>,
        %gather3A_248 = tpu.vector_load_idx %arg11[%add3A_99, %add3A_246] : memref<128x128xf32, #tpu.memory_space<vmem>>[vector<16xi32>, vector<16xi32>], vector<16xf32>,
        %mul3A_249 = arith.mulf %gather3A_247, %gather3A_248 : vector<16xf32>
        %add3A_250 = arith.addf %add3A_243, %mul3A_249 : vector<16xf32>
        %add3A_251 = arith.constant 21 : i32
        %add3A_252 = vector.broadcast %add3A_251 : i32 to vector<16xi32>
        %add3A_253 = arith.addi %broadcast_in_dim3A_102, %add3A_252 : vector<16xi32>
        %gather3A_254 = tpu.vector_load_idx %arg10[%add3A_99, %add3A_253] : memref<128x128xf32, #tpu.memory_space<vmem>>[vector<16xi32>, vector<16xi32>], vector<16xf32>,
        %gather3A_255 = tpu.vector_load_idx %arg11[%add3A_99, %add3A_253] : memref<128x128xf32, #tpu.memory_space<vmem>>[vector<16xi32>, vector<16xi32>], vector<16xf32>,
        %mul3A_256 = arith.mulf %gather3A_254, %gather3A_255 : vector<16xf32>
        %add3A_257 = arith.addf %add3A_250, %mul3A_256 : vector<16xf32>
        %add3A_258 = arith.constant 22 : i32
        %add3A_259 = vector.broadcast %add3A_258 : i32 to vector<16xi32>
        %add3A_260 = arith.addi %broadcast_in_dim3A_102, %add3A_259 : vector<16xi32>
        %gather3A_261 = tpu.vector_load_idx %arg10[%add3A_99, %add3A_260] : memref<128x128xf32, #tpu.memory_space<vmem>>[vector<16xi32>, vector<16xi32>], vector<16xf32>,
        %gather3A_262 = tpu.vector_load_idx %arg11[%add3A_99, %add3A_260] : memref<128x128xf32, #tpu.memory_space<vmem>>[vector<16xi32>, vector<16xi32>], vector<16xf32>,
        %mul3A_263 = arith.mulf %gather3A_261, %gather3A_262 : vector<16xf32>
        %add3A_264 = arith.addf %add3A_257, %mul3A_263 : vector<16xf32>
        %add3A_265 = arith.constant 23 : i32
        %add3A_266 = vector.broadcast %add3A_265 : i32 to vector<16xi32>
        %add3A_267 = arith.addi %broadcast_in_dim3A_102, %add3A_266 : vector<16xi32>
        %gather3A_268 = tpu.vector_load_idx %arg10[%add3A_99, %add3A_267] : memref<128x128xf32, #tpu.memory_space<vmem>>[vector<16xi32>, vector<16xi32>], vector<16xf32>,
        %gather3A_269 = tpu.vector_load_idx %arg11[%add3A_99, %add3A_267] : memref<128x128xf32, #tpu.memory_space<vmem>>[vector<16xi32>, vector<16xi32>], vector<16xf32>,
        %mul3A_270 = arith.mulf %gather3A_268, %gather3A_269 : vector<16xf32>
        %add3A_271 = arith.addf %add3A_264, %mul3A_270 : vector<16xf32>
        %add3A_272 = arith.constant 24 : i32
        %add3A_273 = vector.broadcast %add3A_272 : i32 to vector<16xi32>
        %add3A_274 = arith.addi %broadcast_in_dim3A_102, %add3A_273 : vector<16xi32>
        %gather3A_275 = tpu.vector_load_idx %arg10[%add3A_99, %add3A_274] : memref<128x128xf32, #tpu.memory_space<vmem>>[vector<16xi32>, vector<16xi32>], vector<16xf32>,
        %gather3A_276 = tpu.vector_load_idx %arg11[%add3A_99, %add3A_274] : memref<128x128xf32, #tpu.memory_space<vmem>>[vector<16xi32>, vector<16xi32>], vector<16xf32>,
        %mul3A_277 = arith.mulf %gather3A_275, %gather3A_276 : vector<16xf32>
        %add3A_278 = arith.addf %add3A_271, %mul3A_277 : vector<16xf32>
        %add3A_279 = arith.constant 25 : i32
        %add3A_280 = vector.broadcast %add3A_279 : i32 to vector<16xi32>
        %add3A_281 = arith.addi %broadcast_in_dim3A_102, %add3A_280 : vector<16xi32>
        %gather3A_282 = tpu.vector_load_idx %arg10[%add3A_99, %add3A_281] : memref<128x128xf32, #tpu.memory_space<vmem>>[vector<16xi32>, vector<16xi32>], vector<16xf32>,
        %gather3A_283 = tpu.vector_load_idx %arg11[%add3A_99, %add3A_281] : memref<128x128xf32, #tpu.memory_space<vmem>>[vector<16xi32>, vector<16xi32>], vector<16xf32>,
        %mul3A_284 = arith.mulf %gather3A_282, %gather3A_283 : vector<16xf32>
        %add3A_285 = arith.addf %add3A_278, %mul3A_284 : vector<16xf32>
        %add3A_286 = arith.constant 26 : i32
        %add3A_287 = vector.broadcast %add3A_286 : i32 to vector<16xi32>
        %add3A_288 = arith.addi %broadcast_in_dim3A_102, %add3A_287 : vector<16xi32>
        %gather3A_289 = tpu.vector_load_idx %arg10[%add3A_99, %add3A_288] : memref<128x128xf32, #tpu.memory_space<vmem>>[vector<16xi32>, vector<16xi32>], vector<16xf32>,
        %gather3A_290 = tpu.vector_load_idx %arg11[%add3A_99, %add3A_288] : memref<128x128xf32, #tpu.memory_space<vmem>>[vector<16xi32>, vector<16xi32>], vector<16xf32>,
        %mul3A_291 = arith.mulf %gather3A_289, %gather3A_290 : vector<16xf32>
        %add3A_292 = arith.addf %add3A_285, %mul3A_291 : vector<16xf32>
        %add3A_293 = arith.constant 27 : i32
        %add3A_294 = vector.broadcast %add3A_293 : i32 to vector<16xi32>
        %add3A_295 = arith.addi %broadcast_in_dim3A_102, %add3A_294 : vector<16xi32>
        %gather3A_296 = tpu.vector_load_idx %arg10[%add3A_99, %add3A_295] : memref<128x128xf32, #tpu.memory_space<vmem>>[vector<16xi32>, vector<16xi32>], vector<16xf32>,
        %gather3A_297 = tpu.vector_load_idx %arg11[%add3A_99, %add3A_295] : memref<128x128xf32, #tpu.memory_space<vmem>>[vector<16xi32>, vector<16xi32>], vector<16xf32>,
        %mul3A_298 = arith.mulf %gather3A_296, %gather3A_297 : vector<16xf32>
        %add3A_299 = arith.addf %add3A_292, %mul3A_298 : vector<16xf32>
        %add3A_300 = arith.constant 28 : i32
        %add3A_301 = vector.broadcast %add3A_300 : i32 to vector<16xi32>
        %add3A_302 = arith.addi %broadcast_in_dim3A_102, %add3A_301 : vector<16xi32>
        %gather3A_303 = tpu.vector_load_idx %arg10[%add3A_99, %add3A_302] : memref<128x128xf32, #tpu.memory_space<vmem>>[vector<16xi32>, vector<16xi32>], vector<16xf32>,
        %gather3A_304 = tpu.vector_load_idx %arg11[%add3A_99, %add3A_302] : memref<128x128xf32, #tpu.memory_space<vmem>>[vector<16xi32>, vector<16xi32>], vector<16xf32>,
        %mul3A_305 = arith.mulf %gather3A_303, %gather3A_304 : vector<16xf32>
        %add3A_306 = arith.addf %add3A_299, %mul3A_305 : vector<16xf32>
        %add3A_307 = arith.constant 29 : i32
        %add3A_308 = vector.broadcast %add3A_307 : i32 to vector<16xi32>
        %add3A_309 = arith.addi %broadcast_in_dim3A_102, %add3A_308 : vector<16xi32>
        %gather3A_310 = tpu.vector_load_idx %arg10[%add3A_99, %add3A_309] : memref<128x128xf32, #tpu.memory_space<vmem>>[vector<16xi32>, vector<16xi32>], vector<16xf32>,
        %gather3A_311 = tpu.vector_load_idx %arg11[%add3A_99, %add3A_309] : memref<128x128xf32, #tpu.memory_space<vmem>>[vector<16xi32>, vector<16xi32>], vector<16xf32>,
        %mul3A_312 = arith.mulf %gather3A_310, %gather3A_311 : vector<16xf32>
        %add3A_313 = arith.addf %add3A_306, %mul3A_312 : vector<16xf32>
        %add3A_314 = arith.constant 30 : i32
        %add3A_315 = vector.broadcast %add3A_314 : i32 to vector<16xi32>
        %add3A_316 = arith.addi %broadcast_in_dim3A_102, %add3A_315 : vector<16xi32>
        %gather3A_317 = tpu.vector_load_idx %arg10[%add3A_99, %add3A_316] : memref<128x128xf32, #tpu.memory_space<vmem>>[vector<16xi32>, vector<16xi32>], vector<16xf32>,
        %gather3A_318 = tpu.vector_load_idx %arg11[%add3A_99, %add3A_316] : memref<128x128xf32, #tpu.memory_space<vmem>>[vector<16xi32>, vector<16xi32>], vector<16xf32>,
        %mul3A_319 = arith.mulf %gather3A_317, %gather3A_318 : vector<16xf32>
        %add3A_320 = arith.addf %add3A_313, %mul3A_319 : vector<16xf32>
        %add3A_321 = arith.constant 31 : i32
        %add3A_322 = vector.broadcast %add3A_321 : i32 to vector<16xi32>
        %add3A_323 = arith.addi %broadcast_in_dim3A_102, %add3A_322 : vector<16xi32>
        %gather3A_324 = tpu.vector_load_idx %arg10[%add3A_99, %add3A_323] : memref<128x128xf32, #tpu.memory_space<vmem>>[vector<16xi32>, vector<16xi32>], vector<16xf32>,
        %gather3A_325 = tpu.vector_load_idx %arg11[%add3A_99, %add3A_323] : memref<128x128xf32, #tpu.memory_space<vmem>>[vector<16xi32>, vector<16xi32>], vector<16xf32>,
        %mul3A_326 = arith.mulf %gather3A_324, %gather3A_325 : vector<16xf32>
        %add3A_327 = arith.addf %add3A_320, %mul3A_326 : vector<16xf32>
        %mul3A_328 = arith.constant 0.176776692 : f32
        %mul3A_329 = vector.broadcast %mul3A_328 : f32 to vector<16xf32>
        %mul3A_330 = arith.mulf %add3A_327, %mul3A_329 : vector<16xf32>
        %mul3A_331 = arith.constant 4 : i32
        %mul3A_332 = vector.broadcast %mul3A_331 : i32 to vector<16xi32>
        %mul3A_333 = arith.muli %add3A_99, %mul3A_332 : vector<16xi32>
        %broadcast_in_dim3A_334 = vector.broadcast %select_n3A_95 : i32 to vector<16xi32>
        %add3A_335 = arith.addi %mul3A_333, %broadcast_in_dim3A_334 : vector<16xi32>
        tpu.vector_store_idx %arg12[%add3A_335], %mul3A_330 : memref<512xf32, #tpu.memory_space<vmem>>[vector<16xi32>], vector<16xf32>,
        %eq3A_336 = arith.constant 0 : i32
        %eq3A_337 = arith.cmpi eq, %select_n3A_95, %eq3A_336 : i32
        %max3A = arith.maximumf %scan3A_59, %mul3A_330 : vector<16xf32>
        %select_n3A_338 = arith.select %eq3A_337, %max3A, %scan3A_59 : vector<16xf32>
        %eq3A_339 = arith.constant 1 : i32
        %eq3A_340 = arith.cmpi eq, %select_n3A_95, %eq3A_339 : i32
        %max3A_341 = arith.maximumf %scan3A_60, %mul3A_330 : vector<16xf32>
        %select_n3A_342 = arith.select %eq3A_340, %max3A_341, %scan3A_60 : vector<16xf32>
        %eq3A_343 = arith.constant 2 : i32
        %eq3A_344 = arith.cmpi eq, %select_n3A_95, %eq3A_343 : i32
        %max3A_345 = arith.maximumf %scan3A_61, %mul3A_330 : vector<16xf32>
        %select_n3A_346 = arith.select %eq3A_344, %max3A_345, %scan3A_61 : vector<16xf32>
        %eq3A_347 = arith.constant 3 : i32
        %eq3A_348 = arith.cmpi eq, %select_n3A_95, %eq3A_347 : i32
        %max3A_349 = arith.maximumf %scan3A_62, %mul3A_330 : vector<16xf32>
        %select_n3A_350 = arith.select %eq3A_348, %max3A_349, %scan3A_62 : vector<16xf32>
        scf.yield %select_n3A_338, %select_n3A_342, %select_n3A_346, %select_n3A_350 : vector<16xf32>, vector<16xf32>, vector<16xf32>, vector<16xf32>
      }
      %scan3A_55 = arith.constant 32 : i32
      %mul3A_56 = arith.constant 4 : i32
      %mul3A_57 = arith.muli %mul3A_40, %mul3A_56 : i32
      "tpu.region"() ({
        %run_scoped3A = tpu.sem_alloc : memref<!tpu.dma_semaphore, #tpu.memory_space<semaphore_mem>>
        %dma_start3A_58 = tpu.memref_slice %arg6[%mul3A_57] : memref<3200000xf32, #tpu.memory_space<hbm>> -> memref<512xf32, #tpu.memory_space<hbm>>
        %dma_start3A_59 = tpu.memref_slice %arg6[%mul3A_57] : memref<3200000xf32, #tpu.memory_space<hbm>> -> memref<512xf32, #tpu.memory_space<hbm>>
        tpu.enqueue_dma source(%arg12 : memref<512xf32, #tpu.memory_space<vmem>>) target(%dma_start3A_59 : memref<512xf32, #tpu.memory_space<hbm>>) target_semaphore(%run_scoped3A : memref<!tpu.dma_semaphore, #tpu.memory_space<semaphore_mem>>)
        %dma_wait3A_60 = tpu.memref_slice %arg6[%mul3A_57] : memref<3200000xf32, #tpu.memory_space<hbm>> -> memref<512xf32, #tpu.memory_space<hbm>>
        %dma_wait3A_61 = tpu.memref_slice %arg6[%mul3A_57] : memref<3200000xf32, #tpu.memory_space<hbm>> -> memref<512xf32, #tpu.memory_space<hbm>>
        tpu.wait_dma2 semaphore(%run_scoped3A : memref<!tpu.dma_semaphore, #tpu.memory_space<semaphore_mem>>) src(%arg12 : memref<512xf32, #tpu.memory_space<vmem>>) dst(%dma_wait3A_61 : memref<512xf32, #tpu.memory_space<hbm>>)
        tpu.yield
      }) : () -> ()
      scf.yield %scan3A_54#0, %scan3A_54#1, %scan3A_54#2, %scan3A_54#3 : vector<16xf32>, vector<16xf32>, vector<16xf32>, vector<16xf32>
    }
    %swap3A = arith.constant 0 : i32
    %swap3A_16 = arith.index_cast %swap3A : i32 to index
    %swap3A_17 = arith.constant 0 : index
    %swap3A_18 = tpu.vector_load %arg13[%swap3A_16, %swap3A_17] {strides = array<i32>} : memref<4x16xf32, #tpu.memory_space<vmem>>, vector<16xf32>,
    tpu.vector_store %arg13[%swap3A_16, %swap3A_17], %while3A_15#0 {strides = array<i32>} : memref<4x16xf32, #tpu.memory_space<vmem>>, vector<16xf32>,
    %swap3A_19 = arith.constant 1 : i32
    %swap3A_20 = arith.index_cast %swap3A_19 : i32 to index
    %swap3A_21 = arith.constant 0 : index
    %swap3A_22 = tpu.vector_load %arg13[%swap3A_20, %swap3A_21] {strides = array<i32>} : memref<4x16xf32, #tpu.memory_space<vmem>>, vector<16xf32>,
    tpu.vector_store %arg13[%swap3A_20, %swap3A_21], %while3A_15#1 {strides = array<i32>} : memref<4x16xf32, #tpu.memory_space<vmem>>, vector<16xf32>,
    %swap3A_23 = arith.constant 2 : i32
    %swap3A_24 = arith.index_cast %swap3A_23 : i32 to index
    %swap3A_25 = arith.constant 0 : index
    %swap3A_26 = tpu.vector_load %arg13[%swap3A_24, %swap3A_25] {strides = array<i32>} : memref<4x16xf32, #tpu.memory_space<vmem>>, vector<16xf32>,
    tpu.vector_store %arg13[%swap3A_24, %swap3A_25], %while3A_15#2 {strides = array<i32>} : memref<4x16xf32, #tpu.memory_space<vmem>>, vector<16xf32>,
    %swap3A_27 = arith.constant 3 : i32
    %swap3A_28 = arith.index_cast %swap3A_27 : i32 to index
    %swap3A_29 = arith.constant 0 : index
    %swap3A_30 = tpu.vector_load %arg13[%swap3A_28, %swap3A_29] {strides = array<i32>} : memref<4x16xf32, #tpu.memory_space<vmem>>, vector<16xf32>,
    tpu.vector_store %arg13[%swap3A_28, %swap3A_29], %while3A_15#3 {strides = array<i32>} : memref<4x16xf32, #tpu.memory_space<vmem>>, vector<16xf32>,
    "tpu.region"() ({
      %run_scoped3A = tpu.sem_alloc : memref<!tpu.dma_semaphore, #tpu.memory_space<semaphore_mem>>
      %dma_start3A = arith.constant 0 : i32
      %dma_start3A_31 = arith.constant 0 : i32
      %dma_start3A_32 = tpu.memref_slice %arg7[%add3A, %dma_start3A, %dma_start3A_31] : memref<32x4x16xf32, #tpu.memory_space<hbm>> -> memref<1x4x16xf32, #tpu.memory_space<hbm>>
      %dma_start3A_33 = tpu.memref_squeeze %dma_start3A_32 : memref<1x4x16xf32, #tpu.memory_space<hbm>> -> memref<4x16xf32, #tpu.memory_space<hbm>>
      %dma_start3A_34 = arith.constant 0 : i32
      %dma_start3A_35 = arith.constant 0 : i32
      %dma_start3A_36 = tpu.memref_slice %arg7[%add3A, %dma_start3A_34, %dma_start3A_35] : memref<32x4x16xf32, #tpu.memory_space<hbm>> -> memref<1x4x16xf32, #tpu.memory_space<hbm>>
      %dma_start3A_37 = tpu.memref_squeeze %dma_start3A_36 : memref<1x4x16xf32, #tpu.memory_space<hbm>> -> memref<4x16xf32, #tpu.memory_space<hbm>>
      tpu.enqueue_dma source(%arg13 : memref<4x16xf32, #tpu.memory_space<vmem>>) target(%dma_start3A_37 : memref<4x16xf32, #tpu.memory_space<hbm>>) target_semaphore(%run_scoped3A : memref<!tpu.dma_semaphore, #tpu.memory_space<semaphore_mem>>)
      %dma_wait3A = arith.constant 0 : i32
      %dma_wait3A_38 = arith.constant 0 : i32
      %dma_wait3A_39 = tpu.memref_slice %arg7[%add3A, %dma_wait3A, %dma_wait3A_38] : memref<32x4x16xf32, #tpu.memory_space<hbm>> -> memref<1x4x16xf32, #tpu.memory_space<hbm>>
      %dma_wait3A_40 = tpu.memref_squeeze %dma_wait3A_39 : memref<1x4x16xf32, #tpu.memory_space<hbm>> -> memref<4x16xf32, #tpu.memory_space<hbm>>
      %dma_wait3A_41 = arith.constant 0 : i32
      %dma_wait3A_42 = arith.constant 0 : i32
      %dma_wait3A_43 = tpu.memref_slice %arg7[%add3A, %dma_wait3A_41, %dma_wait3A_42] : memref<32x4x16xf32, #tpu.memory_space<hbm>> -> memref<1x4x16xf32, #tpu.memory_space<hbm>>
      %dma_wait3A_44 = tpu.memref_squeeze %dma_wait3A_43 : memref<1x4x16xf32, #tpu.memory_space<hbm>> -> memref<4x16xf32, #tpu.memory_space<hbm>>
      tpu.wait_dma2 semaphore(%run_scoped3A : memref<!tpu.dma_semaphore, #tpu.memory_space<semaphore_mem>>) src(%arg13 : memref<4x16xf32, #tpu.memory_space<vmem>>) dst(%dma_wait3A_44 : memref<4x16xf32, #tpu.memory_space<hbm>>)
      tpu.yield
    }) : () -> ()
    return
  }
}

</mosaic_0001>

<sc_bundles>
// kernel: _sc_alpha.3.cloned.1.call-start
scs
__scs_entry_jumppad:
0x0: {  	(pc) =	sbr.rel $0x88, $3  }
0x1: {  	(tag) =	ssettag $0x0;
	lr =	simm.s32 $0x1  }
0x2: {  	[smem:$0x3F9D] =	sst lr;
	_ =	strace $0xD0000000  }
0x3: {  	_ = 	snop  }
0x4: {  	_ = 	snop  }
0x5: {  	_ = 	snop  }
0x6: {  	_ = 	snop  }
0x7: {  	_ = 	snop  }
__scs_overlays_trampoline_lowered:
0x8: {  	[smem:$0x3FAC] =	sst s0  }
0x9: {  	[smem:$0x3FAD] =	sst s1  }
0xa: {  	[smem:$0x3FAE] =	sst s2  }
0xb: {  	[smem:$0x3FAF] =	sst s3  }
0xc: {  	[smem:$0x3FB0] =	sst s4  }
0xd: {  	[smem:$0x3FB1] =	sst s5  }
0xe: {  	[smem:$0x3FB2] =	sst s6  }
0xf: {  	[smem:$0x3FB3] =	sst s7  }
0x10: {  	[smem:$0x3FB4] =	sst s8  }
0x11: {  	[smem:$0x3FB5] =	sst s9;
	s0 =	simm.s32 @!p0 $0x0  }
0x12: {  	s1 =	sld [smem:$0x3F9B];
	s0 =	simm.s32 @p0 $0x1  }
0x13: {  	[smem:$0x3FB6] =	sst s0;
	s0 =	simm.s32 @!p1 $0x0  }
0x14: {  	s2 =	sld [smem:$0x3F9A];
	s0 =	simm.s32 @p1 $0x1  }
0x15: {  	[smem:$0x3FB7] =	sst s0;
	s0 =	simm.s32 @!p2 $0x0  }
0x16: {  	s3 =	sld [smem:$0x3FDB];
	s0 =	simm.s32 @p2 $0x1  }
0x17: {  	s4 =	simm.s32 $0x1BF5;
	[smem:$0x3FB9] =	sst s0  }
0x18: {  	s0 =	sld [smem:$0x3F9C];
	_ =	swait.ge [sflag:s4], $0x0  }
0x19: {  	s7 =	sld [smem:$0x3F9D]  }
0x1a: {  	s8 =	sadd.s32 $0xFFFFE003, lr  }
0x1b: {  	s9 =	sadd.s32 $0xFFFFFEF7, lr;
	s5 =	simm.s32 $0xFFFFFFFF;
	p2 =	slt.u32 s8, $0xFFFFF086  }
0x1c: {  	p1 =	slt.u32 s9, $0xF7A;
	s5 =	simm.s32 @!p2 $0x0  }
0x1d: {  	s5 =	simm.s32 @p1 $0x1;
	p0 =	seq.s32 s7, s2  }
0x1e: {  	s7 =	smul.u32 @!p0 $0xF7A, s2;
	p2 =	seq.s32 @!p0 s5, $0x0  }
0x1f: {  	s9 =	smul.u32 $0xF7A, s1;
	s8 =	simm.s32 @!p0 $0x1BF5;
	p2 =	por !p2, p0  }
0x20: {  	[sflag:s8] =	ssyncset.s32 @!p0 $0xFFFFF086;
	s6 =	sadd.s32 @!p0 s3, s7;
	s7 =	simm.s32 @!p0 $0x108  }
0x21: {  	s3 =	sadd.s32 s3, s9;
	s6 =	sadd.s32 @!p0 $0x88, s6;
	s7 =	simm.s32 @p2 $0x1082  }
0x22: {  	[simem:s7], [sflag:s8] =	dma.local @!p0 [hbm:s6], $0xF7A  }
0x23: {  	s9 =	sor.u32 $0xD0000000, s2;
	s6 =	simm.s32 $0x108;
	_ =	swait.ge @!p0 [sflag:s8], $0x0  }
0x24: {  	s3 =	sadd.s32 $0x88, s3;
	s6 =	simm.s32 @!p1 $0x1082;
	[sflag:s4] =	ssyncset.s32 $0xFFFFF086  }
0x25: {  	[simem:s6], [sflag:s4] =	dma.local [hbm:s3], $0xF7A  }
0x26: {  	[smem:$0x3F9D] =	sst s1;
	(tag) =	ssettag s2;
	_ =	strace s9  }
0x27: {  	s1 =	sld [smem:$0x3FAD]  }
0x28: {  	s2 =	sld [smem:$0x3FAE]  }
0x29: {  	s4 =	sld [smem:$0x3FB0]  }
0x2a: {  	p0 =	seq.s32 s5, $0x0;
	s5 =	sld [smem:$0x3FB1]  }
0x2b: {  	s6 =	sld [smem:$0x3FB2]  }
0x2c: {  	s7 =	sld [smem:$0x3FB3]  }
0x2d: {  	s3 =	simm.s32 $0x108;
	s8 =	sld [smem:$0x3FB4]  }
0x2e: {  	s3 =	simm.s32 @!p0 $0x1082;
	s9 =	sld [smem:$0x3FB5]  }
0x2f: {  	lr =	sadd.s32 s0, s3;
	s0 =	sld [smem:$0x3FAC]  }
0x30: {  	s3 =	sld [smem:$0x3FAF]  }
0x31: {  	[smem:$0x3FB8] =	sst s10  }
0x32: {  	s10 =	sld [smem:$0x3FB6];
	_ =	sdelay $0x3  }
0x33: {  	p0 =	seq.s32 s10, $0x1;
	s10 =	sld [smem:$0x3FB8];
	_ =	sdelay $0x3  }
0x34: {  	[smem:$0x3FB8] =	sst s10  }
0x35: {  	s10 =	sld [smem:$0x3FB7];
	_ =	sdelay $0x3  }
0x36: {  	p1 =	seq.s32 s10, $0x1;
	s10 =	sld [smem:$0x3FB8];
	_ =	sdelay $0x3  }
0x37: {  	[smem:$0x3FB8] =	sst s10  }
0x38: {  	s10 =	sld [smem:$0x3FB9]  }
0x39: {  	_ = 	snop;
	(pc) =	sbr.ind lr, $3  }
0x3a: {  	_ = 	snop  }
0x3b: {  	_ = 	snop  }
0x3c: {  	p2 =	seq.s32 s10, $0x1;
	s10 =	sld [smem:$0x3FB8]  }
0x3d: {  	_ =	shalt  }
0x3e: {  	_ =	shalt  }
0x3f: {  	_ =	shalt  }
0x40: {  	_ =	shalt  }
0x41: {  	_ =	shalt  }
0x42: {  	_ =	shalt  }
0x43: {  	_ =	shalt  }
0x44: {  	_ =	shalt  }
0x45: {  	_ =	shalt  }
0x46: {  	_ =	shalt  }
0x47: {  	_ =	shalt  }
0x48: {  	_ =	shalt  }
0x49: {  	_ =	shalt  }
0x4a: {  	_ =	shalt  }
0x4b: {  	_ =	shalt  }
0x4c: {  	_ =	shalt  }
0x4d: {  	_ =	shalt  }
0x4e: {  	_ =	shalt  }
0x4f: {  	_ =	shalt  }
0x50: {  	_ =	shalt  }
0x51: {  	_ =	shalt  }
0x52: {  	_ =	shalt  }
0x53: {  	_ =	shalt  }
0x54: {  	_ =	shalt  }
0x55: {  	_ =	shalt  }
0x56: {  	_ =	shalt  }
0x57: {  	_ =	shalt  }
0x58: {  	_ =	shalt  }
0x59: {  	_ =	shalt  }
0x5a: {  	_ =	shalt  }
0x5b: {  	_ =	shalt  }
0x5c: {  	_ =	shalt  }
0x5d: {  	_ =	shalt  }
0x5e: {  	_ =	shalt  }
0x5f: {  	_ =	shalt  }
0x60: {  	_ =	shalt  }
0x61: {  	_ =	shalt  }
0x62: {  	_ =	shalt  }
0x63: {  	_ =	shalt  }
0x64: {  	_ =	shalt  }
0x65: {  	_ =	shalt  }
0x66: {  	_ =	shalt  }
0x67: {  	_ =	shalt  }
0x68: {  	_ =	shalt  }
0x69: {  	_ =	shalt  }
0x6a: {  	_ =	shalt  }
0x6b: {  	_ =	shalt  }
0x6c: {  	_ =	shalt  }
0x6d: {  	_ =	shalt  }
0x6e: {  	_ =	shalt  }
0x6f: {  	_ =	shalt  }
0x70: {  	_ =	shalt  }
0x71: {  	_ =	shalt  }
0x72: {  	_ =	shalt  }
0x73: {  	_ =	shalt  }
0x74: {  	_ =	shalt  }
0x75: {  	_ =	shalt  }
0x76: {  	_ =	shalt  }
0x77: {  	_ =	shalt  }
0x78: {  	_ =	shalt  }
0x79: {  	_ =	shalt  }
0x7a: {  	_ =	shalt  }
0x7b: {  	_ =	shalt  }
0x7c: {  	_ =	shalt  }
0x7d: {  	_ =	shalt  }
0x7e: {  	_ =	shalt  }
0x7f: {  	_ =	shalt  }
0x80: {  	_ =	shalt  }
0x81: {  	_ =	shalt  }
0x82: {  	_ =	shalt  }
0x83: {  	_ =	shalt  }
0x84: {  	_ =	shalt  }
0x85: {  	_ =	shalt  }
0x86: {  	_ =	shalt  }
0x87: {  	_ =	shalt  }
.Lfunc_end0:
.L_simem_size_0:
called_computation_lowered:
.L_overlay_start_0:
0x88: {  	s2 =	sld [smem:$0x3FD9]  }
0x89: {  	s3 =	sld [smem:$0x3FFE];
	_ =	sdelay $0x1  }
0x8a: {  	s1 =	srdreg.scid  }
0x8b: {  	s0 =	sand.u32 $0x1, s1  }
0x8c: {  	s14 =	sshll.u32 s0, $0xA;
	s2 =	sadd.s32 s3, s2  }
0x8d: {  	s2 =	sadd.s32 s2, s14  }
0x8e: {  	[smem:$0x3FC4] =	sst s2  }
0x8f: {  	_ = 	snop  }
0x90: {  	s2 =	sld [smem:$0x3FC9]  }
0x91: {  	s15 =	sld [smem:$0x3FD0]  }
0x92: {  	s4 =	sld [smem:$0x3FC8]  }
0x93: {  	s5 =	sld [smem:$0x3FC7]  }
0x94: {  	s7 =	simm.s32 $0xA;
	s8 =	simm.s32 $0x10;
	s6 =	sld [smem:$0x3FC6]  }
0x95: {  	[smem:s8], [sflag:s7] =	dma.local [hbm:s15], $0x1  }
0x96: {  	_ =	swait.eq [sflag:s7], $0x1  }
0x97: {  	[sflag:s7] =	ssyncset.done $0x0  }
0x98: {  	[sflag:s7] =	ssyncadd.s32 $0xFFFFFFFF  }
0x99: {  	s16 =	sld [smem:$0x10];
	(tm) =	ssettm $0x1  }
0x9a: {  	s17 =	sld [smem:$0x3FFB];
	_ =	sdelay $0x3  }
0x9b: {  	_ =	strace s17  }
0x9c: {  	s7 =	sld [smem:$0x3FFC];
	_ =	sdelay $0x3  }
0x9d: {  	_ =	strace s7  }
0x9e: {  	s7 =	sld [smem:$0x3FFD];
	_ =	sdelay $0x3  }
0x9f: {  	_ =	strace s7  }
0xa0: {  	_ =	strace $0x8FFFFFFF  }
0xa1: {  	s18 =	sld [smem:$0x3FDB];
	_ =	sdelay $0x1  }
0xa2: {  	s19 =	simm.s32 $_scs_section_size  }
0xa3: {  	s9 =	simm.s32 $_size__tile_overlayer_lowered;
	s10 =	simm.s32 $_tile_overlayer_lowered  }
0xa4: {  	s22 =	simm.s32 $0x1BFF;
	s21 =	sshll.u32 s10, $0x1;
	s7 =	sadd.s32 s19, s18  }
0xa5: {  	s11 =	simm.s32 $0x0;
	s20 =	sshll.u32 s9, $0x1;
	s9 =	sadd.s32 s21, s7  }
0xa6: {  	[timem:s11], [sflag:s22] =	dma.local [hbm:s9], s20  }
0xa7: {  	_ =	swait.ge [sflag:s22], s20  }
0xa8: {  	s8 =	ssub.s32 $0x0, s20;
	[sflag:s22] =	ssyncset.done $0x0  }
0xa9: {  	[sflag:s22] =	ssyncadd.s32 s8;
	_ =	sdelay $0x1  }
0xaa: {  	s23 =	simm.s32 $0x1B8B  }
0xab: {  	_ =	swait.ge [sflag:s23], $0x1  }
0xac: {  	[sflag:s23] =	ssyncset.done $0x0  }
0xad: {  	s25 =	simm.s32 $0x1B8E;
	s24 =	sld [smem:$0x3FFE];
	[sflag:s23] =	ssyncadd.s32 $0xFFFFFFFF  }
0xae: {  	s26 =	simm.s32 $execute0_lowered;
	[smem:$0x3FD2] =	sst s25  }
0xaf: {  	s9 =	sshll.u32 s26, $0x1;
	_ =	strace $0x80000046;
	[dreg:$0x1] =	wrdreg $0xFFFFFFFF  }
0xb0: {  	s28 =	simm.s32 $_size_execute0_lowered;
	s7 =	sadd.s32 s7, s9;
	[dreg:$0x0] =	wrdreg $0x0  }
0xb1: {  	s9 =	sshll.u32 s28, $0x1;
	[dreg:$0x2] =	wrdreg s7  }
0xb2: {  	[dreg:$0x3] =	wrdreg s9  }
0xb3: {  	[dreg:$0x4] =	wrdreg $0xC0  }
0xb4: {  	_ =	task [dreg:s11], $0x5FFFF  }
0xb5: {  	[dreg:$0x1] =	wrdreg $0xFFFFFFFF  }
0xb6: {  	[dreg:$0x0] =	wrdreg $0x60  }
0xb7: {  	[dreg:$0x2] =	wrdreg s2  }
0xb8: {  	[dreg:$0x3] =	wrdreg s4  }
0xb9: {  	[dreg:$0x4] =	wrdreg s5  }
0xba: {  	[dreg:$0x5] =	wrdreg s6  }
0xbb: {  	[dreg:$0x6] =	wrdreg s16  }
0xbc: {  	[dreg:$0x7] =	wrdreg s24  }
0xbd: {  	[dreg:$0x8] =	wrdreg $0x9  }
0xbe: {  	_ =	task.clear_ibuf [dreg:s11], $0x9FFFF;
	_ =	strace $0x90000046  }
0xbf: {  	s29 =	simm.s32 $0x9;
	_ =	strace $0x80000048  }
0xc0: {  	_ =	swait.ge [sflag:s29], $0x1  }
0xc1: {  	[sflag:s29] =	ssyncadd.s32 $0xFFFFFFFF  }
0xc2: {  	_ =	strace $0x90000048  }
0xc3: {  	_ =	sfence  }
0xc4: {  	s30 =	sld [smem:$0x0];
	_ =	sdelay $0x2  }
0xc5: {  	s31 =	sshll.u32 s1, $0xD;
	s1 =	sshrl.u32 s1, $0x2  }
0xc6: {  	s3 =	sand.u32 $0x4000, s31;
	s1 =	sadd.s32 s1, s30  }
0xc7: {  	s0 =	sor.u32 s3, s0;
	s1 =	sshll.u32 s1, $0x11  }
0xc8: {  	s0 =	sor.u32 s1, s0  }
0xc9: {  	s0 =	sadd.s32 $0x8F2B, s0  }
0xca: {  	[sflag:s0] =	ssyncadd.remote.s32 $0x1  }
0xcb: {  	_ =	sfence.sel $0xFFFF  }
0xcc: {  	[dreg:$0x0] =	wrdreg $0xFFFFFFFF;
	(pc) =	sbr.abs _section_cstart, $3  }
0xcd: {  	[dreg:$0x1] =	wrdreg $0xFFFFFFFF  }
0xce: {  	_ =	task.clear_ibuf [dreg:s11], $0x2FFFF;
	_ =	strace $0x9FFFFFFF  }
0xcf: {  	(tm) =	ssettm $0x7FFFFFFF  }
tec
execute0_lowered:
.L_overlay_start_1:
0x0: {  	(tag) =	ssettag $0x1  }
0x1: {  	s0 =	rddreg [dreg:$0x0]  }
0x2: {  	s1 =	rddreg [dreg:$0x1]  }
0x3: {  	s3 =	rddreg [dreg:$0x2]  }
0x4: {  	s4 =	rddreg [dreg:$0x3]  }
0x5: {  	s6 =	rddreg [dreg:$0x4];
	s5 =	srdreg.scid  }
0x6: {  	s2 =	stileid.u32;
	s9 =	rddreg [dreg:$0x5];
	s7 =	simm.s32 $0x0  }
0x7: {  	s13 =	simm.s32 $0x80;
	s14 =	simm.s32 $0x100;
	s15 =	simm.s32 $0x4100  }
0x8: {  	s16 =	simm.s32 $0x1;
	s17 =	simm.s32 $0x8100;
	s18 =	simm.s32 $0x8300  }
0x9: {  	s10 =	sand.u32 $0x1, s5;
	s8 =	sshll.u32 s2, $0x1;
	s5 =	rddreg [dreg:$0x6]  }
0xa: {  	s19 =	simm.s32 $0x0;
	[smem:$0x7FF] =	sst s7;
	s8 =	sor.u32 s10, s8  }
0xb: {  	p0 =	slt.u32 s2, $0x5;
	s10 =	ssub.s32 $0x2, s10;
	s11 =	sshll.u32 s8, $0x6  }
0xc: {  	s12 =	sshrl.u32 s10, $0x1;
	s11 =	sadd.s32 s11, s9;
	s9 =	simm.s32 $0xC4  }
0xd: {  	_ =	strace $0x80000047;
	s12 =	ssub.s32 s10, s12;
	s9 =	simm.s32 @!p0 $0xC3  }
0xe: {  	v0 =	vlaneseq.u32;
	s10 =	sadd.s32 $0x800, s11;
	s11 =	smax.u32 s12, $0x1;
	s12 =	simm.s32 $0x2  }
.LBB2_1:
0xf: {  	v1 =	vimm.f32 $-1.000000020e+30  }
0x10: {  	v2 =	vimm.f32 $-1.000000020e+30;
	v3 =	vimm.f32 $-1.000000020e+30;
	v4 =	vimm.f32 $-1.000000020e+30;
	s20 =	simm.s32 $0x0  }
.LBB2_2:
0x11: {  	s21 =	sshll.u32 s20, $0x5  }
0x12: {  	s21 =	sor.u32 s8, s21  }
0x13: {  	s22 =	sshll.u32 s21, $0x4  }
0x14: {  	s24 =	simm.s32 $0x0;
	s23 =	sadd.s32 s3, s22  }
0x15: {  	[tilespmem:s24], [sflag:$0x2] =	stream.linear.gather [hbm4b:s23+s24], $0x80, $0x38;
	[tilespmem:$0x8500] =	vst v63  }
0x16: {  	_ =	swait.ge [sflag:s12], $0x80  }
0x17: {  	[sflag:s12] =	ssyncset.done $0x0  }
0x18: {  	s22 =	sadd.s32 s4, s22;
	[sflag:s12] =	ssyncadd.s32 $0xFFFFFF80  }
0x19: {  	[tilespmem:s13], [sflag:$0x2] =	stream.linear.gather [hbm4b:s22+s24], $0x80, $0x38;
	[tilespmem:$0x8500] =	vst v63  }
0x1a: {  	_ =	swait.ge [sflag:s12], $0x80  }
0x1b: {  	[sflag:s12] =	ssyncset.done $0x0  }
0x1c: {  	[sflag:s12] =	ssyncadd.s32 $0xFFFFFF80  }
0x1d: {  	[tilespmem:s14], [sflag:$0x1] =	stream.indirect.gather [hbm4b:s0+s13], $0x80, s13, s13, $0xb8;
	[tilespmem:$0x8500] =	vst v63  }
0x1e: {  	s30 =	sand.u32 $0x70, s24;
	s22 =	sand.u32 $0x3, s24  }
0x1f: {  	v5 =	vor.u32 s30, v0;
	[tilespmem:s15], [sflag:$0x1] =	stream.indirect.gather [hbm4b:s1+s13], $0x80, s24, s13, $0xb8;
	[tilespmem:$0x8500] =	vst v63  }
0x20: {  	v6 =	vshll.u32 v5, $0x7;
	s31 =	sshll.u32 s22, $0x5;
	_ =	swait.ge [sflag:s16], $0x4000  }
0x21: {  	v6 =	vor.u32 s31, v6;
	[sflag:s16] =	ssyncset.done $0x0  }
0x22: {  	[sflag:s16] =	ssyncadd.s32 $0xFFFFC000  }
0x23: {  	v7 =	vor.u32 $0x1, v6;
	_ =	swait.ge [sflag:s16], $0x4000  }
0x24: {  	[sflag:s16] =	ssyncset.done $0x0  }
0x25: {  	v8 =	vor.u32 $0x2, v6;
	[sflag:s16] =	ssyncadd.s32 $0xFFFFC000  }
0x26: {  	v9 =	vld.idx.msk [tilespmem:v6+s15+$0x0], $0xffff  }
0x27: {  	v11 =	vor.u32 $0x3, v6;
	v10 =	vld.idx.msk [tilespmem:v6+s14+$0x0], $0xffff  }
0x28: {  	v12 =	vld.idx.msk [tilespmem:v7+s14+$0x0], $0xffff  }
0x29: {  	v13 =	vor.u32 $0x4, v6;
	v7 =	vld.idx.msk [tilespmem:v7+s15+$0x0], $0xffff  }
0x2a: {  	v14 =	vld.idx.msk [tilespmem:v8+s14+$0x0], $0xffff  }
0x2b: {  	v15 =	vor.u32 $0x5, v6;
	v8 =	vld.idx.msk [tilespmem:v8+s15+$0x0], $0xffff  }
0x2c: {  	v16 =	vld.idx.msk [tilespmem:v11+s14+$0x0], $0xffff;
	v9 =	vmul.f32 v9, v10  }
0x2d: {  	v10 =	vld.idx.msk [tilespmem:v11+s15+$0x0], $0xffff;
	v11 =	vor.u32 $0x6, v6  }
0x2e: {  	v17 =	vld.idx.msk [tilespmem:v13+s14+$0x0], $0xffff;
	v7 =	vmul.f32 v7, v12;
	v9 =	vadd.f32 $0.0e+00, v9  }
0x2f: {  	v58 =	vor.u32 $0x7, v6;
	v57 =	vld.idx.msk [tilespmem:v13+s15+$0x0], $0xffff  }
0x30: {  	v18 =	vld.idx.msk [tilespmem:v15+s14+$0x0], $0xffff;
	v8 =	vmul.f32 v8, v14;
	v7 =	vadd.f32 v7, v9  }
0x31: {  	v59 =	vor.u32 $0x8, v6;
	v9 =	vld.idx.msk [tilespmem:v15+s15+$0x0], $0xffff  }
0x32: {  	v60 =	vld.idx.msk [tilespmem:v11+s14+$0x0], $0xffff;
	v7 =	vadd.f32 v8, v7;
	v8 =	vmul.f32 v10, v16  }
0x33: {  	v10 =	vld.idx.msk [tilespmem:v11+s15+$0x0], $0xffff;
	v11 =	vor.u32 $0x9, v6  }
0x34: {  	v61 =	vld.idx.msk [tilespmem:v58+s14+$0x0], $0xffff;
	v7 =	vadd.f32 v8, v7;
	v8 =	vmul.f32 v57, v17  }
0x35: {  	v63 =	vor.u32 $0xA, v6;
	v62 =	vld.idx.msk [tilespmem:v58+s15+$0x0], $0xffff  }
0x36: {  	v21 =	vld.idx.msk [tilespmem:v59+s14+$0x0], $0xffff;
	v7 =	vadd.f32 v8, v7;
	v8 =	vmul.f32 v9, v18  }
0x37: {  	v22 =	vor.u32 $0xB, v6;
	v9 =	vld.idx.msk [tilespmem:v59+s15+$0x0], $0xffff  }
0x38: {  	v23 =	vld.idx.msk [tilespmem:v11+s14+$0x0], $0xffff;
	v7 =	vadd.f32 v8, v7;
	v8 =	vmul.f32 v10, v60  }
0x39: {  	v10 =	vld.idx.msk [tilespmem:v11+s15+$0x0], $0xffff;
	v11 =	vor.u32 $0xC, v6  }
0x3a: {  	v24 =	vld.idx.msk [tilespmem:v63+s14+$0x0], $0xffff;
	v7 =	vadd.f32 v8, v7;
	v8 =	vmul.f32 v62, v61  }
0x3b: {  	v26 =	vor.u32 $0xD, v6;
	v25 =	vld.idx.msk [tilespmem:v63+s15+$0x0], $0xffff  }
0x3c: {  	v27 =	vld.idx.msk [tilespmem:v22+s14+$0x0], $0xffff;
	v7 =	vadd.f32 v8, v7;
	v8 =	vmul.f32 v9, v21  }
0x3d: {  	v28 =	vor.u32 $0xE, v6;
	v9 =	vld.idx.msk [tilespmem:v22+s15+$0x0], $0xffff  }
0x3e: {  	v29 =	vld.idx.msk [tilespmem:v11+s14+$0x0], $0xffff;
	v7 =	vadd.f32 v8, v7;
	v8 =	vmul.f32 v10, v23  }
0x3f: {  	v10 =	vld.idx.msk [tilespmem:v11+s15+$0x0], $0xffff;
	v11 =	vor.u32 $0xF, v6  }
0x40: {  	v30 =	vld.idx.msk [tilespmem:v26+s14+$0x0], $0xffff;
	v7 =	vadd.f32 v8, v7;
	v8 =	vmul.f32 v25, v24  }
0x41: {  	v32 =	vor.u32 $0x10, v6;
	v31 =	vld.idx.msk [tilespmem:v26+s15+$0x0], $0xffff  }
0x42: {  	v33 =	vld.idx.msk [tilespmem:v28+s14+$0x0], $0xffff;
	v7 =	vadd.f32 v8, v7;
	v8 =	vmul.f32 v9, v27  }
0x43: {  	v34 =	vor.u32 $0x11, v6;
	v9 =	vld.idx.msk [tilespmem:v28+s15+$0x0], $0xffff  }
0x44: {  	v35 =	vld.idx.msk [tilespmem:v11+s14+$0x0], $0xffff;
	v7 =	vadd.f32 v8, v7;
	v8 =	vmul.f32 v10, v29  }
0x45: {  	v10 =	vld.idx.msk [tilespmem:v11+s15+$0x0], $0xffff;
	v11 =	vor.u32 $0x12, v6  }
0x46: {  	v36 =	vld.idx.msk [tilespmem:v32+s14+$0x0], $0xffff;
	v7 =	vadd.f32 v8, v7;
	v8 =	vmul.f32 v31, v30  }
0x47: {  	v38 =	vor.u32 $0x13, v6;
	v37 =	vld.idx.msk [tilespmem:v32+s15+$0x0], $0xffff  }
0x48: {  	v39 =	vld.idx.msk [tilespmem:v34+s14+$0x0], $0xffff;
	v7 =	vadd.f32 v8, v7;
	v8 =	vmul.f32 v9, v33  }
0x49: {  	v40 =	vor.u32 $0x14, v6;
	v9 =	vld.idx.msk [tilespmem:v34+s15+$0x0], $0xffff  }
0x4a: {  	v41 =	vld.idx.msk [tilespmem:v11+s14+$0x0], $0xffff;
	v7 =	vadd.f32 v8, v7;
	v8 =	vmul.f32 v10, v35  }
0x4b: {  	v10 =	vld.idx.msk [tilespmem:v11+s15+$0x0], $0xffff;
	v11 =	vor.u32 $0x15, v6  }
0x4c: {  	v42 =	vld.idx.msk [tilespmem:v38+s14+$0x0], $0xffff;
	v7 =	vadd.f32 v8, v7;
	v8 =	vmul.f32 v37, v36  }
0x4d: {  	v44 =	vor.u32 $0x16, v6;
	v43 =	vld.idx.msk [tilespmem:v38+s15+$0x0], $0xffff  }
0x4e: {  	v45 =	vld.idx.msk [tilespmem:v40+s14+$0x0], $0xffff;
	v7 =	vadd.f32 v8, v7;
	v8 =	vmul.f32 v9, v39  }
0x4f: {  	v46 =	vor.u32 $0x17, v6;
	v9 =	vld.idx.msk [tilespmem:v40+s15+$0x0], $0xffff  }
0x50: {  	v47 =	vld.idx.msk [tilespmem:v11+s14+$0x0], $0xffff;
	v7 =	vadd.f32 v8, v7;
	v8 =	vmul.f32 v10, v41  }
0x51: {  	v10 =	vld.idx.msk [tilespmem:v11+s15+$0x0], $0xffff;
	v11 =	vor.u32 $0x18, v6  }
0x52: {  	v48 =	vld.idx.msk [tilespmem:v44+s14+$0x0], $0xffff;
	v7 =	vadd.f32 v8, v7;
	v8 =	vmul.f32 v43, v42  }
0x53: {  	v50 =	vor.u32 $0x19, v6;
	v49 =	vld.idx.msk [tilespmem:v44+s15+$0x0], $0xffff  }
0x54: {  	v51 =	vld.idx.msk [tilespmem:v46+s14+$0x0], $0xffff;
	v7 =	vadd.f32 v8, v7;
	v8 =	vmul.f32 v9, v45  }
0x55: {  	v52 =	vor.u32 $0x1A, v6;
	v9 =	vld.idx.msk [tilespmem:v46+s15+$0x0], $0xffff  }
0x56: {  	v53 =	vld.idx.msk [tilespmem:v11+s14+$0x0], $0xffff;
	v7 =	vadd.f32 v8, v7;
	v8 =	vmul.f32 v10, v47  }
0x57: {  	v10 =	vld.idx.msk [tilespmem:v11+s15+$0x0], $0xffff;
	v11 =	vor.u32 $0x1B, v6  }
0x58: {  	v54 =	vld.idx.msk [tilespmem:v50+s14+$0x0], $0xffff;
	v7 =	vadd.f32 v8, v7;
	v8 =	vmul.f32 v49, v48  }
0x59: {  	v56 =	vor.u32 $0x1C, v6;
	v55 =	vld.idx.msk [tilespmem:v50+s15+$0x0], $0xffff  }
0x5a: {  	v57 =	vld.idx.msk [tilespmem:v52+s14+$0x0], $0xffff;
	v7 =	vadd.f32 v8, v7;
	v8 =	vmul.f32 v9, v51  }
0x5b: {  	v9 =	vld.idx.msk [tilespmem:v52+s15+$0x0], $0xffff  }
0x5c: {  	v59 =	vld.idx.msk [tilespmem:v11+s14+$0x0], $0xffff;
	v7 =	vadd.f32 v8, v7;
	v8 =	vmul.f32 v10, v53  }
0x5d: {  	v58 =	vor.u32 $0x1D, v6;
	v10 =	vld.idx.msk [tilespmem:v11+s15+$0x0], $0xffff  }
0x5e: {  	v60 =	vld.idx.msk [tilespmem:v56+s14+$0x0], $0xffff;
	v7 =	vadd.f32 v8, v7;
	v8 =	vmul.f32 v55, v54  }
0x5f: {  	v61 =	vld.idx.msk [tilespmem:v56+s15+$0x0], $0xffff;
	v11 =	vor.u32 $0x1E, v6  }
0x60: {  	v7 =	vadd.f32 v8, v7;
	v8 =	vmul.f32 v9, v57  }
0x61: {  	v6 =	vor.u32 $0x1F, v6  }
0x62: {  	v62 =	vld.idx.msk [tilespmem:v58+s14+$0x0], $0xffff;
	v7 =	vadd.f32 v8, v7;
	v8 =	vmul.f32 v10, v59  }
0x63: {  	v9 =	vld.idx.msk [tilespmem:v58+s15+$0x0], $0xffff  }
0x64: {  	v63 =	vld.idx.msk [tilespmem:v11+s14+$0x0], $0xffff;
	v7 =	vadd.f32 v8, v7;
	v8 =	vmul.f32 v61, v60  }
0x65: {  	v10 =	vld.idx.msk [tilespmem:v11+s15+$0x0], $0xffff  }
0x66: {  	v11 =	vadd.f32 v8, v7;
	v7 =	vld.idx.msk [tilespmem:v6+s14+$0x0], $0xffff  }
0x67: {  	v8 =	vld.idx.msk [tilespmem:v6+s15+$0x0], $0xffff  }
0x68: {  	v9 =	vmul.f32 v9, v62  }
0x69: {  	s23 =	simm.s32 $0x4  }
0x6a: {  	s25 =	sand.u32 $0x70, s23;
	v10 =	vmul.f32 v10, v63;
	v9 =	vadd.f32 v9, v11  }
0x6b: {  	s24 =	simm.s32 $0x1;
	v6 =	vor.u32 s25, v0;
	s25 =	simm.s32 $0x2  }
.LBB2_3:
0x6c: {  	p0 =	sne.s32 s25, $0x1F;
	s26 =	sand.u32 $0x3, s24;
	v9 =	vadd.f32 v10, v9;
	v7 =	vmul.f32 v8, v7;
	v8 =	vshll.u32 v5, $0x2;
	v5 =	vmovc v6;
	s24 =	smov.u32 s25  }
0x6d: {  	s28 =	sshll.u32 s26, $0x5;
	v6 =	vshll.u32 v5, $0x7;
	v8 =	vor.u32 s22, v8  }
0x6e: {  	v6 =	vor.u32 s28, v6;
	v7 =	vadd.f32 v7, v9;
	_ =	sdelay $0x1  }
0x6f: {  	v9 =	vor.u32 $0x1, v6;
	v7 =	vmul.f32 $1.767766920e-01, v7;
	_ =	sdelay $0x1  }
0x70: {  	p1 =	seq.s32 s22, $0x2;
	p2 =	seq.s32 s22, $0x3;
	v10 =	vor.u32 $0x2, v6;
	[tilespmem:v8+s17+$0x0] =	vst.idx.msk $0xffff, v7;
	v8 =	vmax.f32 v2, v7;
	v11 =	vmax.f32 v1, v7  }
0x71: {  	p3 =	seq.s32 s22, $0x1;
	v13 =	vmax.f32 v3, v7;
	v12 =	vld.idx.msk [tilespmem:v6+s15+$0x0], $0xffff;
	v2 =	vpsel p1, v8, v2;
	v1 =	vpsel p2, v11, v1  }
0x72: {  	v7 =	vmax.f32 v4, v7;
	v11 =	vor.u32 $0x3, v6;
	p1 =	seq.s32 s22, $0x0;
	v3 =	vpsel p3, v13, v3;
	s22 =	smov.u32 s26;
	v8 =	vld.idx.msk [tilespmem:v6+s14+$0x0], $0xffff  }
0x73: {  	v4 =	vpsel p1, v7, v4;
	v13 =	vld.idx.msk [tilespmem:v9+s14+$0x0], $0xffff  }
0x74: {  	v7 =	vld.idx.msk [tilespmem:v9+s15+$0x0], $0xffff;
	v9 =	vor.u32 $0x4, v6  }
0x75: {  	v14 =	vld.idx.msk [tilespmem:v10+s14+$0x0], $0xffff  }
0x76: {  	v15 =	vor.u32 $0x5, v6;
	v10 =	vld.idx.msk [tilespmem:v10+s15+$0x0], $0xffff  }
0x77: {  	v16 =	vld.idx.msk [tilespmem:v11+s14+$0x0], $0xffff  }
0x78: {  	v8 =	vmul.f32 v12, v8;
	v12 =	vor.u32 $0x6, v6;
	v11 =	vld.idx.msk [tilespmem:v11+s15+$0x0], $0xffff  }
0x79: {  	v17 =	vld.idx.msk [tilespmem:v9+s14+$0x0], $0xffff  }
0x7a: {  	v8 =	vadd.f32 $0.0e+00, v8;
	v7 =	vmul.f32 v7, v13;
	v13 =	vor.u32 $0x7, v6;
	v9 =	vld.idx.msk [tilespmem:v9+s15+$0x0], $0xffff  }
0x7b: {  	v18 =	vld.idx.msk [tilespmem:v15+s14+$0x0], $0xffff  }
0x7c: {  	v7 =	vadd.f32 v7, v8;
	v8 =	vmul.f32 v10, v14;
	v14 =	vor.u32 $0x8, v6;
	v10 =	vld.idx.msk [tilespmem:v15+s15+$0x0], $0xffff  }
0x7d: {  	v15 =	vld.idx.msk [tilespmem:v12+s14+$0x0], $0xffff  }
0x7e: {  	v7 =	vadd.f32 v8, v7;
	v8 =	vmul.f32 v11, v16;
	v11 =	vld.idx.msk [tilespmem:v12+s15+$0x0], $0xffff;
	v12 =	vor.u32 $0x9, v6  }
0x7f: {  	v16 =	vld.idx.msk [tilespmem:v13+s14+$0x0], $0xffff  }
0x80: {  	v7 =	vadd.f32 v8, v7;
	v8 =	vmul.f32 v9, v17;
	v9 =	vld.idx.msk [tilespmem:v13+s15+$0x0], $0xffff;
	v13 =	vor.u32 $0xA, v6  }
0x81: {  	v17 =	vld.idx.msk [tilespmem:v14+s14+$0x0], $0xffff  }
0x82: {  	v7 =	vadd.f32 v8, v7;
	v8 =	vmul.f32 v10, v18;
	v10 =	vld.idx.msk [tilespmem:v14+s15+$0x0], $0xffff;
	v14 =	vor.u32 $0xB, v6  }
0x83: {  	v18 =	vld.idx.msk [tilespmem:v12+s14+$0x0], $0xffff  }
0x84: {  	v7 =	vadd.f32 v8, v7;
	v8 =	vmul.f32 v11, v15;
	v11 =	vld.idx.msk [tilespmem:v12+s15+$0x0], $0xffff;
	v12 =	vor.u32 $0xC, v6  }
0x85: {  	v15 =	vld.idx.msk [tilespmem:v13+s14+$0x0], $0xffff  }
0x86: {  	v7 =	vadd.f32 v8, v7;
	v8 =	vmul.f32 v9, v16;
	v9 =	vld.idx.msk [tilespmem:v13+s15+$0x0], $0xffff;
	v13 =	vor.u32 $0xD, v6  }
0x87: {  	v16 =	vld.idx.msk [tilespmem:v14+s14+$0x0], $0xffff  }
0x88: {  	v7 =	vadd.f32 v8, v7;
	v8 =	vmul.f32 v10, v17;
	v10 =	vld.idx.msk [tilespmem:v14+s15+$0x0], $0xffff;
	v14 =	vor.u32 $0xE, v6  }
0x89: {  	v17 =	vld.idx.msk [tilespmem:v12+s14+$0x0], $0xffff  }
0x8a: {  	v7 =	vadd.f32 v8, v7;
	v8 =	vmul.f32 v11, v18;
	v11 =	vld.idx.msk [tilespmem:v12+s15+$0x0], $0xffff;
	v12 =	vor.u32 $0xF, v6  }
0x8b: {  	v18 =	vld.idx.msk [tilespmem:v13+s14+$0x0], $0xffff  }
0x8c: {  	v7 =	vadd.f32 v8, v7;
	v8 =	vmul.f32 v9, v15;
	v9 =	vld.idx.msk [tilespmem:v13+s15+$0x0], $0xffff;
	v13 =	vor.u32 $0x10, v6  }
0x8d: {  	v15 =	vld.idx.msk [tilespmem:v14+s14+$0x0], $0xffff  }
0x8e: {  	v7 =	vadd.f32 v8, v7;
	v8 =	vmul.f32 v10, v16;
	v10 =	vld.idx.msk [tilespmem:v14+s15+$0x0], $0xffff;
	v14 =	vor.u32 $0x11, v6  }
0x8f: {  	v16 =	vld.idx.msk [tilespmem:v12+s14+$0x0], $0xffff  }
0x90: {  	v7 =	vadd.f32 v8, v7;
	v8 =	vmul.f32 v11, v17;
	v11 =	vld.idx.msk [tilespmem:v12+s15+$0x0], $0xffff;
	v12 =	vor.u32 $0x12, v6  }
0x91: {  	v17 =	vld.idx.msk [tilespmem:v13+s14+$0x0], $0xffff  }
0x92: {  	v7 =	vadd.f32 v8, v7;
	v8 =	vmul.f32 v9, v18;
	v9 =	vld.idx.msk [tilespmem:v13+s15+$0x0], $0xffff;
	v13 =	vor.u32 $0x13, v6  }
0x93: {  	v18 =	vld.idx.msk [tilespmem:v14+s14+$0x0], $0xffff  }
0x94: {  	v7 =	vadd.f32 v8, v7;
	v8 =	vmul.f32 v10, v15;
	v10 =	vld.idx.msk [tilespmem:v14+s15+$0x0], $0xffff;
	v14 =	vor.u32 $0x14, v6  }
0x95: {  	v15 =	vld.idx.msk [tilespmem:v12+s14+$0x0], $0xffff  }
0x96: {  	v7 =	vadd.f32 v8, v7;
	v8 =	vmul.f32 v11, v16;
	v11 =	vld.idx.msk [tilespmem:v12+s15+$0x0], $0xffff;
	v12 =	vor.u32 $0x15, v6  }
0x97: {  	v16 =	vld.idx.msk [tilespmem:v13+s14+$0x0], $0xffff  }
0x98: {  	v7 =	vadd.f32 v8, v7;
	v8 =	vmul.f32 v9, v17;
	v9 =	vld.idx.msk [tilespmem:v13+s15+$0x0], $0xffff;
	v13 =	vor.u32 $0x16, v6  }
0x99: {  	v17 =	vld.idx.msk [tilespmem:v14+s14+$0x0], $0xffff  }
0x9a: {  	v7 =	vadd.f32 v8, v7;
	v8 =	vmul.f32 v10, v18;
	v10 =	vld.idx.msk [tilespmem:v14+s15+$0x0], $0xffff;
	v14 =	vor.u32 $0x17, v6  }
0x9b: {  	v18 =	vld.idx.msk [tilespmem:v12+s14+$0x0], $0xffff  }
0x9c: {  	v7 =	vadd.f32 v8, v7;
	v8 =	vmul.f32 v11, v15;
	v11 =	vld.idx.msk [tilespmem:v12+s15+$0x0], $0xffff;
	v12 =	vor.u32 $0x18, v6  }
0x9d: {  	v15 =	vld.idx.msk [tilespmem:v13+s14+$0x0], $0xffff  }
0x9e: {  	v7 =	vadd.f32 v8, v7;
	v8 =	vmul.f32 v9, v16;
	v9 =	vld.idx.msk [tilespmem:v13+s15+$0x0], $0xffff;
	v13 =	vor.u32 $0x19, v6  }
0x9f: {  	v16 =	vld.idx.msk [tilespmem:v14+s14+$0x0], $0xffff  }
0xa0: {  	v7 =	vadd.f32 v8, v7;
	v8 =	vmul.f32 v10, v17;
	v10 =	vld.idx.msk [tilespmem:v14+s15+$0x0], $0xffff;
	v14 =	vor.u32 $0x1A, v6  }
0xa1: {  	v17 =	vld.idx.msk [tilespmem:v12+s14+$0x0], $0xffff  }
0xa2: {  	v7 =	vadd.f32 v8, v7;
	v8 =	vmul.f32 v11, v18;
	v11 =	vld.idx.msk [tilespmem:v12+s15+$0x0], $0xffff;
	v12 =	vor.u32 $0x1B, v6  }
0xa3: {  	v18 =	vld.idx.msk [tilespmem:v13+s14+$0x0], $0xffff  }
0xa4: {  	v7 =	vadd.f32 v8, v7;
	v8 =	vmul.f32 v9, v15;
	v9 =	vld.idx.msk [tilespmem:v13+s15+$0x0], $0xffff;
	v13 =	vor.u32 $0x1C, v6  }
0xa5: {  	v15 =	vld.idx.msk [tilespmem:v14+s14+$0x0], $0xffff  }
0xa6: {  	v7 =	vadd.f32 v8, v7;
	v8 =	vmul.f32 v10, v16;
	v10 =	vld.idx.msk [tilespmem:v14+s15+$0x0], $0xffff;
	v14 =	vor.u32 $0x1D, v6  }
0xa7: {  	v16 =	vld.idx.msk [tilespmem:v12+s14+$0x0], $0xffff  }
0xa8: {  	v7 =	vadd.f32 v8, v7;
	v8 =	vmul.f32 v11, v17;
	v11 =	vld.idx.msk [tilespmem:v12+s15+$0x0], $0xffff;
	v12 =	vor.u32 $0x1E, v6  }
0xa9: {  	v17 =	vld.idx.msk [tilespmem:v13+s14+$0x0], $0xffff  }
0xaa: {  	v6 =	vor.u32 $0x1F, v6;
	v7 =	vadd.f32 v8, v7;
	v8 =	vmul.f32 v9, v18;
	v9 =	vld.idx.msk [tilespmem:v13+s15+$0x0], $0xffff  }
0xab: {  	v13 =	vld.idx.msk [tilespmem:v14+s14+$0x0], $0xffff  }
0xac: {  	v7 =	vadd.f32 v8, v7;
	v8 =	vmul.f32 v10, v15;
	v10 =	vld.idx.msk [tilespmem:v14+s15+$0x0], $0xffff  }
0xad: {  	v14 =	vld.idx.msk [tilespmem:v12+s14+$0x0], $0xffff  }
0xae: {  	v8 =	vadd.f32 v8, v7;
	v11 =	vmul.f32 v11, v16;
	v12 =	vld.idx.msk [tilespmem:v12+s15+$0x0], $0xffff  }
0xaf: {  	v7 =	vld.idx.msk [tilespmem:v6+s14+$0x0], $0xffff  }
0xb0: {  	v11 =	vadd.f32 v11, v8;
	v9 =	vmul.f32 v9, v17;
	v8 =	vld.idx.msk [tilespmem:v6+s15+$0x0], $0xffff  }
.Ltmp0:
0xb1: {  	(pc) =	sbr.rel @p0 .LBB2_3-.Ltmp0, $4  }
0xb2: {  	v6 =	vadd.f32 v9, v11;
	v9 =	vmul.f32 v10, v13  }
0xb3: {  	s23 =	sadd.s32 $0x4, s23  }
0xb4: {  	s26 =	sand.u32 $0x70, s23;
	v9 =	vadd.f32 v9, v6;
	v10 =	vmul.f32 v12, v14  }
0xb5: {  	s25 =	sadd.s32 $0x1, s25;
	v6 =	vor.u32 s26, v0  }
0xb6: {  	s23 =	sand.u32 $0x3, s24;
	v9 =	vadd.f32 v10, v9;
	v8 =	vmul.f32 v8, v7;
	v5 =	vshll.u32 v5, $0x2  }
0xb7: {  	v7 =	vshll.u32 v6, $0x7;
	s24 =	sshll.u32 s23, $0x5;
	v18 =	vor.u32 s22, v5  }
0xb8: {  	v7 =	vor.u32 s24, v7;
	v5 =	vadd.f32 v8, v9;
	_ =	sdelay $0x1  }
0xb9: {  	v19 =	vor.u32 $0x1, v7;
	v5 =	vmul.f32 $1.767766920e-01, v5;
	_ =	sdelay $0x1  }
0xba: {  	v20 =	vor.u32 $0x2, v7;
	[tilespmem:v18+s17+$0x0] =	vst.idx.msk $0xffff, v5  }
0xbb: {  	v10 =	vld.idx.msk [tilespmem:v7+s15+$0x0], $0xffff  }
0xbc: {  	v12 =	vor.u32 $0x3, v7;
	v11 =	vld.idx.msk [tilespmem:v7+s14+$0x0], $0xffff  }
0xbd: {  	v13 =	vld.idx.msk [tilespmem:v19+s14+$0x0], $0xffff  }
0xbe: {  	v14 =	vor.u32 $0x4, v7;
	v8 =	vld.idx.msk [tilespmem:v19+s15+$0x0], $0xffff  }
0xbf: {  	v15 =	vld.idx.msk [tilespmem:v20+s14+$0x0], $0xffff  }
0xc0: {  	v16 =	vor.u32 $0x5, v7;
	v9 =	vld.idx.msk [tilespmem:v20+s15+$0x0], $0xffff  }
0xc1: {  	v17 =	vld.idx.msk [tilespmem:v12+s14+$0x0], $0xffff;
	v10 =	vmul.f32 v10, v11  }
0xc2: {  	v22 =	vor.u32 $0x6, v7;
	v21 =	vld.idx.msk [tilespmem:v12+s15+$0x0], $0xffff  }
0xc3: {  	v18 =	vld.idx.msk [tilespmem:v14+s14+$0x0], $0xffff;
	v8 =	vmul.f32 v8, v13;
	v10 =	vadd.f32 $0.0e+00, v10  }
0xc4: {  	v24 =	vor.u32 $0x7, v7;
	v23 =	vld.idx.msk [tilespmem:v14+s15+$0x0], $0xffff  }
0xc5: {  	v25 =	vld.idx.msk [tilespmem:v16+s14+$0x0], $0xffff;
	v9 =	vmul.f32 v9, v15;
	v8 =	vadd.f32 v8, v10  }
0xc6: {  	v27 =	vor.u32 $0x8, v7;
	v26 =	vld.idx.msk [tilespmem:v16+s15+$0x0], $0xffff  }
0xc7: {  	v28 =	vld.idx.msk [tilespmem:v22+s14+$0x0], $0xffff;
	v11 =	vmul.f32 v21, v17;
	v8 =	vadd.f32 v9, v8  }
0xc8: {  	v29 =	vor.u32 $0x9, v7;
	v12 =	vld.idx.msk [tilespmem:v22+s15+$0x0], $0xffff  }
0xc9: {  	v30 =	vld.idx.msk [tilespmem:v24+s14+$0x0], $0xffff;
	v13 =	vmul.f32 v23, v18;
	v8 =	vadd.f32 v11, v8  }
0xca: {  	v31 =	vor.u32 $0xA, v7;
	v14 =	vld.idx.msk [tilespmem:v24+s15+$0x0], $0xffff  }
0xcb: {  	v32 =	vld.idx.msk [tilespmem:v27+s14+$0x0], $0xffff;
	v10 =	vmul.f32 v26, v25;
	v8 =	vadd.f32 v13, v8  }
0xcc: {  	v34 =	vor.u32 $0xB, v7;
	v33 =	vld.idx.msk [tilespmem:v27+s15+$0x0], $0xffff  }
0xcd: {  	v35 =	vld.idx.msk [tilespmem:v29+s14+$0x0], $0xffff;
	v9 =	vmul.f32 v12, v28;
	v8 =	vadd.f32 v10, v8  }
0xce: {  	v37 =	vor.u32 $0xC, v7;
	v36 =	vld.idx.msk [tilespmem:v29+s15+$0x0], $0xffff  }
0xcf: {  	v38 =	vld.idx.msk [tilespmem:v31+s14+$0x0], $0xffff;
	v11 =	vmul.f32 v14, v30;
	v8 =	vadd.f32 v9, v8  }
0xd0: {  	v40 =	vor.u32 $0xD, v7;
	v39 =	vld.idx.msk [tilespmem:v31+s15+$0x0], $0xffff  }
0xd1: {  	v41 =	vld.idx.msk [tilespmem:v34+s14+$0x0], $0xffff;
	v13 =	vmul.f32 v33, v32;
	v8 =	vadd.f32 v11, v8  }
0xd2: {  	v43 =	vor.u32 $0xE, v7;
	v42 =	vld.idx.msk [tilespmem:v34+s15+$0x0], $0xffff  }
0xd3: {  	v44 =	vld.idx.msk [tilespmem:v37+s14+$0x0], $0xffff;
	v10 =	vmul.f32 v36, v35;
	v8 =	vadd.f32 v13, v8  }
0xd4: {  	v46 =	vor.u32 $0xF, v7;
	v45 =	vld.idx.msk [tilespmem:v37+s15+$0x0], $0xffff  }
0xd5: {  	v47 =	vld.idx.msk [tilespmem:v40+s14+$0x0], $0xffff;
	v9 =	vmul.f32 v39, v38;
	v8 =	vadd.f32 v10, v8  }
0xd6: {  	v49 =	vor.u32 $0x10, v7;
	v48 =	vld.idx.msk [tilespmem:v40+s15+$0x0], $0xffff  }
0xd7: {  	v50 =	vld.idx.msk [tilespmem:v43+s14+$0x0], $0xffff;
	v11 =	vmul.f32 v42, v41;
	v8 =	vadd.f32 v9, v8  }
0xd8: {  	v52 =	vor.u32 $0x11, v7;
	v51 =	vld.idx.msk [tilespmem:v43+s15+$0x0], $0xffff  }
0xd9: {  	v53 =	vld.idx.msk [tilespmem:v46+s14+$0x0], $0xffff;
	v12 =	vmul.f32 v45, v44;
	v8 =	vadd.f32 v11, v8  }
0xda: {  	v55 =	vor.u32 $0x12, v7;
	v54 =	vld.idx.msk [tilespmem:v46+s15+$0x0], $0xffff  }
0xdb: {  	v56 =	vld.idx.msk [tilespmem:v49+s14+$0x0], $0xffff;
	v10 =	vmul.f32 v48, v47;
	v8 =	vadd.f32 v12, v8  }
0xdc: {  	v58 =	vor.u32 $0x13, v7;
	v57 =	vld.idx.msk [tilespmem:v49+s15+$0x0], $0xffff  }
0xdd: {  	v59 =	vld.idx.msk [tilespmem:v52+s14+$0x0], $0xffff;
	v9 =	vmul.f32 v51, v50;
	v8 =	vadd.f32 v10, v8  }
0xde: {  	v61 =	vor.u32 $0x14, v7;
	v60 =	vld.idx.msk [tilespmem:v52+s15+$0x0], $0xffff  }
0xdf: {  	v62 =	vld.idx.msk [tilespmem:v55+s14+$0x0], $0xffff;
	v11 =	vmul.f32 v54, v53;
	v8 =	vadd.f32 v9, v8  }
0xe0: {  	v63 =	vld.idx.msk [tilespmem:v55+s15+$0x0], $0xffff;
	v21 =	vor.u32 $0x15, v7  }
0xe1: {  	v22 =	vld.idx.msk [tilespmem:v58+s14+$0x0], $0xffff;
	v12 =	vmul.f32 v57, v56;
	v8 =	vadd.f32 v11, v8  }
0xe2: {  	v24 =	vor.u32 $0x16, v7;
	v23 =	vld.idx.msk [tilespmem:v58+s15+$0x0], $0xffff  }
0xe3: {  	v25 =	vld.idx.msk [tilespmem:v61+s14+$0x0], $0xffff;
	v10 =	vmul.f32 v60, v59;
	v8 =	vadd.f32 v12, v8  }
0xe4: {  	v27 =	vor.u32 $0x17, v7;
	v26 =	vld.idx.msk [tilespmem:v61+s15+$0x0], $0xffff  }
0xe5: {  	v28 =	vld.idx.msk [tilespmem:v21+s14+$0x0], $0xffff;
	v9 =	vmul.f32 v63, v62;
	v8 =	vadd.f32 v10, v8  }
0xe6: {  	v29 =	vld.idx.msk [tilespmem:v21+s15+$0x0], $0xffff;
	v30 =	vor.u32 $0x18, v7  }
0xe7: {  	v31 =	vld.idx.msk [tilespmem:v24+s14+$0x0], $0xffff;
	v11 =	vmul.f32 v23, v22;
	v8 =	vadd.f32 v9, v8  }
0xe8: {  	v32 =	vld.idx.msk [tilespmem:v24+s15+$0x0], $0xffff;
	v33 =	vor.u32 $0x19, v7  }
0xe9: {  	v34 =	vld.idx.msk [tilespmem:v27+s14+$0x0], $0xffff;
	v12 =	vmul.f32 v26, v25;
	v8 =	vadd.f32 v11, v8  }
0xea: {  	v35 =	vld.idx.msk [tilespmem:v27+s15+$0x0], $0xffff;
	v36 =	vor.u32 $0x1A, v7  }
0xeb: {  	v37 =	vld.idx.msk [tilespmem:v30+s14+$0x0], $0xffff;
	v10 =	vmul.f32 v29, v28;
	v8 =	vadd.f32 v12, v8  }
0xec: {  	v38 =	vld.idx.msk [tilespmem:v30+s15+$0x0], $0xffff;
	v39 =	vor.u32 $0x1B, v7  }
0xed: {  	v40 =	vld.idx.msk [tilespmem:v33+s14+$0x0], $0xffff;
	v9 =	vmul.f32 v32, v31;
	v8 =	vadd.f32 v10, v8  }
0xee: {  	v41 =	vld.idx.msk [tilespmem:v33+s15+$0x0], $0xffff;
	v42 =	vor.u32 $0x1C, v7  }
0xef: {  	v43 =	vld.idx.msk [tilespmem:v36+s14+$0x0], $0xffff;
	v11 =	vmul.f32 v35, v34;
	v8 =	vadd.f32 v9, v8  }
0xf0: {  	v45 =	vor.u32 $0x1D, v7;
	v44 =	vld.idx.msk [tilespmem:v36+s15+$0x0], $0xffff  }
0xf1: {  	v46 =	vld.idx.msk [tilespmem:v39+s14+$0x0], $0xffff;
	v12 =	vmul.f32 v38, v37;
	v8 =	vadd.f32 v11, v8  }
0xf2: {  	v47 =	vld.idx.msk [tilespmem:v39+s15+$0x0], $0xffff;
	v48 =	vor.u32 $0x1E, v7  }
0xf3: {  	v49 =	vld.idx.msk [tilespmem:v42+s14+$0x0], $0xffff;
	v10 =	vmul.f32 v41, v40;
	v8 =	vadd.f32 v12, v8  }
0xf4: {  	v7 =	vor.u32 $0x1F, v7;
	v50 =	vld.idx.msk [tilespmem:v42+s15+$0x0], $0xffff  }
0xf5: {  	v52 =	vld.idx.msk [tilespmem:v45+s15+$0x0], $0xffff;
	v9 =	vmul.f32 v44, v43;
	v8 =	vadd.f32 v10, v8  }
0xf6: {  	v51 =	vld.idx.msk [tilespmem:v45+s14+$0x0], $0xffff  }
0xf7: {  	v53 =	vld.idx.msk [tilespmem:v48+s14+$0x0], $0xffff;
	v54 =	vmul.f32 v47, v46;
	v8 =	vadd.f32 v9, v8  }
0xf8: {  	v55 =	vld.idx.msk [tilespmem:v48+s15+$0x0], $0xffff  }
0xf9: {  	v56 =	vld.idx.msk [tilespmem:v7+s14+$0x0], $0xffff;
	v57 =	vmul.f32 v50, v49;
	v8 =	vadd.f32 v54, v8  }
0xfa: {  	v7 =	vld.idx.msk [tilespmem:v7+s15+$0x0], $0xffff  }
0xfb: {  	v58 =	vmul.f32 v52, v51;
	v8 =	vadd.f32 v57, v8;
	_ =	sdelay $0x1  }
0xfc: {  	v59 =	vmul.f32 v55, v53;
	v8 =	vadd.f32 v58, v8;
	_ =	sdelay $0x1  }
0xfd: {  	v6 =	vshll.u32 v6, $0x2;
	v7 =	vmul.f32 v7, v56;
	v8 =	vadd.f32 v59, v8  }
0xfe: {  	v6 =	vor.u32 s23, v6  }
0xff: {  	v7 =	vadd.f32 v7, v8  }
0x100: {  	v61 =	vmax.f32 v1, v5;
	v60 =	vmax.f32 v2, v5  }
0x101: {  	p0 =	seq.s32 s22, $0x2;
	p3 =	seq.s32 s22, $0x0;
	s20 =	sadd.s32 $0x1, s20;
	v62 =	vmax.f32 v3, v5;
	v5 =	vmax.f32 v4, v5;
	v7 =	vmul.f32 $1.767766920e-01, v7  }
0x102: {  	p1 =	seq.s32 s22, $0x3;
	s21 =	sshll.u32 s21, $0x6;
	v4 =	vpsel p3, v5, v4;
	p3 =	sne.s32 s20, s9  }
.Ltmp1:
0x103: {  	p2 =	seq.s32 s22, $0x1;
	s21 =	sadd.s32 s6, s21;
	[tilespmem:v6+s17+$0x0] =	vst.idx.msk $0xffff, v7;
	(pc) =	sbr.rel @p3 .LBB2_2-.Ltmp1, $4  }
0x104: {  	v1 =	vpsel p1, v61, v1;
	v2 =	vpsel p0, v60, v2;
	[hbm4b:s21+s7] =	stream.linear.scatter [tilespmem:s17], [sflag:$0x2], $0x200, $0x38;
	[tilespmem:$0x8500] =	vst v63  }
0x105: {  	p4 =	seq.s32 s23, $0x2;
	p5 =	seq.s32 s23, $0x1;
	v3 =	vpsel p2, v62, v3;
	v5 =	vmax.f32 v2, v7;
	v6 =	vmax.f32 v1, v7;
	_ =	swait.ge [sflag:s12], $0x200  }
0x106: {  	p6 =	seq.s32 s23, $0x0;
	p0 =	seq.s32 s23, $0x3;
	v63 =	vmax.f32 v3, v7;
	v2 =	vpsel p4, v5, v2;
	v5 =	vmax.f32 v4, v7;
	[sflag:s12] =	ssyncset.done $0x0  }
0x107: {  	v1 =	vpsel p0, v6, v1;
	v3 =	vpsel p5, v63, v3;
	v4 =	vpsel p6, v5, v4;
	[sflag:s12] =	ssyncadd.s32 $0xFFFFFE00  }
0x108: {  	[tilespmem:$0x8300] =	vst v4  }
0x109: {  	[tilespmem:$0x8380] =	vst v3;
	s19 =	sadd.s32 $0x1, s19  }
0x10a: {  	[tilespmem:$0x8400] =	vst v2;
	p0 =	sne.s32 s19, s11  }
.Ltmp2:
0x10b: {  	[tilespmem:$0x8480] =	vst v1;
	(pc) =	sbr.rel @p0 .LBB2_1-.Ltmp2, $4  }
0x10c: {  	[hbm4b:s10+s7] =	stream.linear.scatter [tilespmem:s18], [sflag:$0x2], $0x200, $0x38;
	[tilespmem:$0x8500] =	vst v63  }
0x10d: {  	_ =	swait.ge [sflag:s12], $0x200  }
0x10e: {  	[sflag:s12] =	ssyncset.done $0x0  }
0x10f: {  	[sflag:s12] =	ssyncadd.s32 $0xFFFFFE00  }
0x110: {  	_ =	sfence.sel $0x180000  }
0x111: {  	[bflag:$0x0] =	sbarrier.arrive $0xFFFF  }
0x112: {  	p0 =	sne.s32 s2, $0x0;
	_ =	strace $0x90000047  }
0x113: {  	s0 =	sadd.s32 @!p0 $0x100000, s5;
	[bflag:$0x2] =	sbarrier.arrive $0xFFFF  }
0x114: {  	[sflag:s0] =	ssyncadd.tile.s32 @!p0 $0x1;
	_ =	shalt  }
.Lfunc_end2:
_tile_overlayer_lowered:
.L_overlay_start_2:
0x115: {  	(tag) =	ssettag $0x2  }
0x116: {  	s0 =	rddreg [dreg:$0x0];
	s2 =	stileid.u32  }
0x117: {  	s1 =	rddreg [dreg:$0x1];
	p0 =	sne.s32 s2, $0x0  }
0x118: {  	s3 =	rddreg [dreg:$0x2];
	[bflag:$0x3] =	sbarrier.arrive $0xFFFF;
	s2 =	simm.s32 @!p0 $0x1C02  }
0x119: {  	[timem:s3], [sflag:s2] =	dma.local @!p0 [hbm:s0], s1  }
0x11a: {  	s0 =	simm.s32 @!p0 $0x2  }
0x11b: {  	_ =	swait.ge @!p0 [sflag:s0], s1  }
0x11c: {  	s1 =	ssub.s32 @!p0 $0x0, s1;
	[sflag:s0] =	ssyncset.done @!p0 $0x0  }
0x11d: {  	[sflag:s0] =	ssyncadd.s32 @!p0 s1  }
0x11e: {  	[bflag:$0x3] =	sbarrier.arrive $0xFFFF  }
0x11f: {  	_ =	shalt  }

</sc_bundles>
